<compile_context>
chip_gen: v7x
topology: tpu7x:2x2x1
jax: 0.10.2.dev20260603
libtpu: 0.0.44.dev20260713+nightly
codegen_flags: <defaults>
</compile_context>

<pallas_src>
import functools

import jax
import jax.numpy as jnp
from jax import lax
from jax.experimental import pallas as pl
from jax.experimental.pallas import tpu as pltpu
from jax.experimental.pallas import tpu_sc as plsc

N = 10000
E = 320000
D1 = 128
D2 = 64
NPAD = 10240
NC = 2
NS = 16
NW = NC * NS
CH = 128
K = -(-E // (NW * CH))
E_PAD = NW * K * CH
ZR = 16
ZN = 10016
ROWS_PER_TILE = NPAD // NS

_MESH = plsc.VectorSubcoreMesh(
    core_axis_name="c", subcore_axis_name="s", num_cores=NC, num_subcores=NS)


@functools.partial(
    pl.kernel,
    out_type=jax.ShapeDtypeStruct((NC, NPAD, 16), jnp.float32),
    mesh=_MESH,
    scratch_types=[
        pltpu.VMEM((K, CH), jnp.int32),
        pltpu.VMEM((CH, 16), jnp.float32),
        pltpu.VMEM((16, 16), jnp.float32),
        pltpu.VMEM((160, 16), jnp.float32),
        pltpu.VMEM_SHARED((NPAD, 16), jnp.float32),
        pltpu.SemaphoreType.DMA,
    ],
)
def _deg_sc(col_hbm, ones_hbm, zero_hbm, out_hbm, colv, onesv, zv, obuf,
            acc, sem):
    cid = lax.axis_index("c")
    sid = lax.axis_index("s")
    wid = cid * NS + sid
    row0 = sid * ROWS_PER_TILE

    pltpu.sync_copy(ones_hbm, onesv)
    pltpu.sync_copy(zero_hbm, zv)

    def _zero_acc(j, _):
        pltpu.sync_copy(zv, acc.at[pl.ds(row0 + 16 * j, 16)])
        return _
    lax.fori_loop(0, ROWS_PER_TILE // 16, _zero_acc, 0)

    pltpu.sync_copy(col_hbm.at[wid], colv)
    plsc.subcore_barrier()

    def _scatter(j, _):
        pltpu.sync_copy(onesv, acc.at[colv.at[j]], add=True)
        return _
    lax.fori_loop(0, K, _scatter, 0)
    plsc.subcore_barrier()

    def _writeout(j, _):
        r = row0 + 160 * j
        pltpu.sync_copy(acc.at[pl.ds(r, 160)], obuf)
        pltpu.sync_copy(obuf, out_hbm.at[cid, pl.ds(r, 160)])
        return _
    lax.fori_loop(0, ROWS_PER_TILE // 160, _writeout, 0)


def _make_push(D):
    @functools.partial(
        pl.kernel,
        out_type=jax.ShapeDtypeStruct((NC, NPAD, D), jnp.float32),
        mesh=_MESH,
        scratch_types=[
            pltpu.VMEM((K, CH), jnp.int32),
            pltpu.VMEM((K, CH), jnp.int32),
            pltpu.VMEM((CH, D), jnp.float32),
            pltpu.VMEM((ZR, D), jnp.float32),
            pltpu.VMEM_SHARED((NPAD, D), jnp.float32),
            pltpu.SemaphoreType.DMA,
        ],
    )
    def _push(g_hbm, row_hbm, col_hbm, out_hbm, rowv, colv, rbuf, zv, acc,
              sem):
        cid = lax.axis_index("c")
        sid = lax.axis_index("s")
        wid = cid * NS + sid
        row0 = sid * ROWS_PER_TILE

        pltpu.sync_copy(g_hbm.at[pl.ds(ZN, ZR)], zv)

        def _zero_acc(j, _):
            pltpu.sync_copy(zv, acc.at[pl.ds(row0 + ZR * j, ZR)])
            return _
        lax.fori_loop(0, ROWS_PER_TILE // ZR, _zero_acc, 0)

        pltpu.sync_copy(row_hbm.at[wid], rowv)
        pltpu.sync_copy(col_hbm.at[wid], colv)
        plsc.subcore_barrier()

        def _edge_chunk(j, _):
            pltpu.async_copy(g_hbm.at[rowv.at[j]], rbuf, sem).wait()
            pltpu.sync_copy(rbuf, acc.at[colv.at[j]], add=True)
            return _
        lax.fori_loop(0, K, _edge_chunk, 0)
        plsc.subcore_barrier()

        def _writeout(j, _):
            r = row0 + CH * j
            pltpu.sync_copy(acc.at[pl.ds(r, CH)], rbuf)
            pltpu.sync_copy(rbuf, out_hbm.at[cid, pl.ds(r, CH)])
            return _
        lax.fori_loop(0, ROWS_PER_TILE // CH, _writeout, 0)

    return _push


_push128 = _make_push(D1)


_BM = 2048


def _mm_body(x_ref, w_ref, o_ref):
    o_ref[:] = jnp.dot(x_ref[:], w_ref[:], preferred_element_type=jnp.float32)


def _mm1(x_pad, W1):
    return pl.pallas_call(
        _mm_body,
        grid=(NPAD // _BM,),
        in_specs=[
            pl.BlockSpec((_BM, D1), lambda i: (i, 0)),
            pl.BlockSpec((D1, D1), lambda i: (0, 0)),
        ],
        out_specs=pl.BlockSpec((_BM, D1), lambda i: (i, 0)),
        out_shape=jax.ShapeDtypeStruct((NPAD, D1), jnp.float32),
    )(x_pad, W1)


def _scale_body(p_ref, xw_ref, dinvb_ref, g_ref):
    deg = p_ref[0, :, :] + p_ref[1, :, :] + 1.0
    dv = lax.rsqrt(deg)
    dinvb = dv[:, 0:1] * jnp.ones((1, D1), jnp.float32)
    dinvb_ref[:] = dinvb
    g_ref[:] = xw_ref[:] * dinvb


def _scale(deg_parts, xw1):
    return pl.pallas_call(
        _scale_body,
        grid=(NPAD // _BM,),
        in_specs=[
            pl.BlockSpec((NC, _BM, 16), lambda i: (0, i, 0)),
            pl.BlockSpec((_BM, D1), lambda i: (i, 0)),
        ],
        out_specs=[
            pl.BlockSpec((_BM, D1), lambda i: (i, 0)),
            pl.BlockSpec((_BM, D1), lambda i: (i, 0)),
        ],
        out_shape=[
            jax.ShapeDtypeStruct((NPAD, D1), jnp.float32),
            jax.ShapeDtypeStruct((NPAD, D1), jnp.float32),
        ],
    )(deg_parts, xw1)


def _mm2_body(s1a_ref, s1b_ref, g1_ref, dinvb_ref, b1_ref, w2_ref, g2_ref):
    pre = (s1a_ref[:] + s1b_ref[:] + g1_ref[:]) * dinvb_ref[:] + b1_ref[:]
    h1 = jnp.maximum(pre, 0.0)
    rid = pl.program_id(0) * _BM + lax.broadcasted_iota(jnp.int32, (_BM, 1), 0)
    h1 = jnp.where(rid < N, h1, 0.0)
    g2 = jnp.dot(h1, w2_ref[:], preferred_element_type=jnp.float32)
    g2_ref[:] = g2 * dinvb_ref[:]


def _mm2(s1a, s1b, g1, dinvb, b1r, W2p):
    return pl.pallas_call(
        _mm2_body,
        grid=(NPAD // _BM,),
        in_specs=[
            pl.BlockSpec((_BM, D1), lambda i: (i, 0)),
            pl.BlockSpec((_BM, D1), lambda i: (i, 0)),
            pl.BlockSpec((_BM, D1), lambda i: (i, 0)),
            pl.BlockSpec((_BM, D1), lambda i: (i, 0)),
            pl.BlockSpec((1, D1), lambda i: (0, 0)),
            pl.BlockSpec((D1, D1), lambda i: (0, 0)),
        ],
        out_specs=pl.BlockSpec((_BM, D1), lambda i: (i, 0)),
        out_shape=jax.ShapeDtypeStruct((NPAD, D1), jnp.float32),
    )(s1a, s1b, g1, dinvb, b1r, W2p)


_BM3 = 2000


def _mm3_body(s2a_ref, s2b_ref, g2_ref, dinvb_ref, b2_ref, o_ref):
    s = (s2a_ref[:] + s2b_ref[:] + g2_ref[:]) * dinvb_ref[:]
    o_ref[:] = s[:, :D2] + b2_ref[:]


def _mm3(s2a, s2b, g2, dinvb, b2r):
    return pl.pallas_call(
        _mm3_body,
        grid=(N // _BM3,),
        in_specs=[
            pl.BlockSpec((_BM3, D1), lambda i: (i, 0)),
            pl.BlockSpec((_BM3, D1), lambda i: (i, 0)),
            pl.BlockSpec((_BM3, D1), lambda i: (i, 0)),
            pl.BlockSpec((_BM3, D1), lambda i: (i, 0)),
            pl.BlockSpec((1, D2), lambda i: (0, 0)),
        ],
        out_specs=pl.BlockSpec((_BM3, D2), lambda i: (i, 0)),
        out_shape=jax.ShapeDtypeStruct((N, D2), jnp.float32),
    )(s2a, s2b, g2, dinvb, b2r)


def kernel(x, edge_index, W1, b1, W2, b2):
    ei = edge_index.astype(jnp.int32)
    pad = jnp.full((E_PAD - E,), N, jnp.int32)
    rowp = jnp.concatenate([ei[0], pad]).reshape(NW, K, CH)
    colp = jnp.concatenate([ei[1], pad]).reshape(NW, K, CH)
    x_pad = jnp.pad(x, ((0, NPAD - N), (0, 0)))
    W2p = jnp.pad(W2, ((0, 0), (0, D1 - D2)))

    ones16 = jnp.ones((CH, 16), jnp.float32)
    zero16 = jnp.zeros((16, 16), jnp.float32)

    deg_parts = _deg_sc(colp, ones16, zero16)
    xw1 = _mm1(x_pad, W1)
    dinvb, g1 = _scale(deg_parts, xw1)
    s1 = _push128(g1, rowp, colp)
    g2 = _mm2(s1[0], s1[1], g1, dinvb, b1.reshape(1, D1), W2p)
    s2 = _push128(g2, rowp, colp)
    return _mm3(s2[0], s2[1], g2, dinvb, b2.reshape(1, D2))

# --- scband reference (transcript-rebuilt; emitter-appended) ---
"""Pipeline reference for scband-gcn-9586367004990 (READ-ONLY COPY).

The authoritative reference and input builder live on the scoring server;
editing this copy changes nothing except your own understanding.
"""

import jax, jax.numpy as jnp
import numpy as np

NUM_NODES = 10000
NUM_FEATURES = 128
NUM_HIDDEN = 128
NUM_CLASSES = 64
NUM_EDGES = 320000


def gcn_conv(x, edge_index, W, b, num_nodes):
    # GCNConv with add_self_loops=True, symmetric normalization, bias
    row = edge_index[0]
    col = edge_index[1]
    loop = jnp.arange(num_nodes, dtype=edge_index.dtype)
    row = jnp.concatenate([row, loop])
    col = jnp.concatenate([col, loop])
    h = x @ W
    deg = jnp.zeros((num_nodes,), dtype=h.dtype).at[col].add(1.0)
    deg_inv_sqrt = jnp.where(deg > 0, jax.lax.rsqrt(jnp.where(deg > 0, deg, 1.0)), 0.0)
    norm = deg_inv_sqrt[row] * deg_inv_sqrt[col]
    msg = h[row] * norm[:, None]
    out = jnp.zeros((num_nodes, h.shape[1]), dtype=h.dtype).at[col].add(msg)
    return out + b


def setup_inputs(seed: int = 0) -> dict:
    key = jax.random.key(seed)
    k1, k2, k3, k4 = jax.random.split(key, 4)
    x = jax.random.normal(k1, (NUM_NODES, NUM_FEATURES), dtype=jnp.float32)
    edge_index = jax.random.randint(k2, (2, NUM_EDGES), 0, NUM_NODES, dtype=jnp.int64)
    # Glorot-style init for GCNConv weights
    W1 = jax.random.normal(k3, (NUM_FEATURES, NUM_HIDDEN), dtype=jnp.float32) * (1.0 / np.sqrt(NUM_FEATURES))
    b1 = jnp.zeros((NUM_HIDDEN,), dtype=jnp.float32)
    W2 = jax.random.normal(k4, (NUM_HIDDEN, NUM_CLASSES), dtype=jnp.float32) * (1.0 / np.sqrt(NUM_HIDDEN))
    b2 = jnp.zeros((NUM_CLASSES,), dtype=jnp.float32)
    return {"x": x, "edge_index": edge_index, "W1": W1, "b1": b1, "W2": W2, "b2": b2}


def reference(x, edge_index, W1, b1, W2, b2):
    h = gcn_conv(x, edge_index, W1, b1, NUM_NODES)
    h = jax.nn.relu(h)
    # F.dropout(p=0.2) treated as identity for deterministic eval-mode reference
    out = gcn_conv(h, edge_index, W2, b2, NUM_NODES)
    return out

if __name__ == "__main__":
    import jax
    _d = setup_inputs()
    print(jax.jit(kernel)(*tuple(_d.values())))

</pallas_src>

<mosaic_0001>
#map = affine_map<(d0, d1) -> (0, 0)>
#map1 = affine_map<(d0, d1) -> (0, 0, 0)>
module attributes {stable_mosaic.version = 14 : i64} {
  func.func @_push(%arg0: i32, %arg1: i32, %arg2: memref<10240x128xf32, #tpu.memory_space<hbm>>, %arg3: memref<32x79x128xi32, #tpu.memory_space<hbm>>, %arg4: memref<32x79x128xi32, #tpu.memory_space<hbm>>, %arg5: memref<2x10240x128xf32, #tpu.memory_space<hbm>>, %arg6: memref<79x128xi32, #tpu.memory_space<vmem>>, %arg7: memref<79x128xi32, #tpu.memory_space<vmem>>, %arg8: memref<128x128xf32, #tpu.memory_space<vmem>>, %arg9: memref<16x128xf32, #tpu.memory_space<vmem>>, %arg10: memref<10240x128xf32, #tpu.memory_space<vmem_shared>>, %arg11: memref<!tpu.dma_semaphore, #tpu.memory_space<semaphore_mem>>) attributes {dimension_semantics = [#tpu.dimension_semantics<core_parallel>, #tpu.dimension_semantics<subcore_parallel>], iteration_bounds = array<i64: 2, 16>, scalar_prefetch = 0 : i64, scratch_operands = 6 : i64, tpu.core_type = #tpu.core_type<sc_vector_subcore>, window_params = [{transform_indices = #map}, {transform_indices = #map1}, {transform_indices = #map1}, {transform_indices = #map1}]} {
    %mul3A = arith.constant 16 : i32
    %mul3A_0 = arith.muli %arg0, %mul3A : i32
    %add3A = arith.addi %mul3A_0, %arg1 : i32
    %mul3A_1 = arith.constant 640 : i32
    %mul3A_2 = arith.muli %arg1, %mul3A_1 : i32
    "tpu.region"() ({
      %run_scoped3A = tpu.sem_alloc : memref<!tpu.dma_semaphore, #tpu.memory_space<semaphore_mem>>
      %dma_start3A = arith.constant 10016 : i32
      %dma_start3A_21 = arith.constant 0 : i32
      %dma_start3A_22 = tpu.memref_slice %arg2[%dma_start3A, %dma_start3A_21] : memref<10240x128xf32, #tpu.memory_space<hbm>> -> memref<16x128xf32, #tpu.memory_space<hbm>>
      %dma_start3A_23 = arith.constant 10016 : i32
      %dma_start3A_24 = arith.constant 0 : i32
      %dma_start3A_25 = tpu.memref_slice %arg2[%dma_start3A_23, %dma_start3A_24] : memref<10240x128xf32, #tpu.memory_space<hbm>> -> memref<16x128xf32, #tpu.memory_space<hbm>>
      tpu.enqueue_dma source(%dma_start3A_25 : memref<16x128xf32, #tpu.memory_space<hbm>>) target(%arg9 : memref<16x128xf32, #tpu.memory_space<vmem>>) target_semaphore(%run_scoped3A : memref<!tpu.dma_semaphore, #tpu.memory_space<semaphore_mem>>)
      %dma_wait3A = arith.constant 10016 : i32
      %dma_wait3A_26 = arith.constant 0 : i32
      %dma_wait3A_27 = tpu.memref_slice %arg2[%dma_wait3A, %dma_wait3A_26] : memref<10240x128xf32, #tpu.memory_space<hbm>> -> memref<16x128xf32, #tpu.memory_space<hbm>>
      %dma_wait3A_28 = arith.constant 10016 : i32
      %dma_wait3A_29 = arith.constant 0 : i32
      %dma_wait3A_30 = tpu.memref_slice %arg2[%dma_wait3A_28, %dma_wait3A_29] : memref<10240x128xf32, #tpu.memory_space<hbm>> -> memref<16x128xf32, #tpu.memory_space<hbm>>
      tpu.wait_dma2 semaphore(%run_scoped3A : memref<!tpu.dma_semaphore, #tpu.memory_space<semaphore_mem>>) src(%dma_wait3A_30 : memref<16x128xf32, #tpu.memory_space<hbm>>) dst(%arg9 : memref<16x128xf32, #tpu.memory_space<vmem>>)
      tpu.yield
    }) : () -> ()
    %scan3A = arith.constant 0 : i32
    %scan3A_3 = arith.constant 0 : i32
    %scan3A_4 = arith.constant 40 : i32
    %scan3A_5 = arith.addi %scan3A_3, %scan3A_4 : i32
    %scan3A_6 = arith.constant 1 : i32
    scf.for %scan3A_21 = %scan3A_3 to %scan3A_5 step %scan3A_6  : i32 {
      %mul3A_22 = arith.constant 16 : i32
      %mul3A_23 = arith.muli %mul3A_22, %scan3A_21 : i32
      %add3A_24 = arith.addi %mul3A_2, %mul3A_23 : i32
      "tpu.region"() ({
        %run_scoped3A = tpu.sem_alloc : memref<!tpu.dma_semaphore, #tpu.memory_space<semaphore_mem>>
        %dma_start3A = arith.constant 0 : i32
        %dma_start3A_25 = tpu.memref_slice %arg10[%add3A_24, %dma_start3A] : memref<10240x128xf32, #tpu.memory_space<vmem_shared>> -> memref<16x128xf32, #tpu.memory_space<vmem_shared>>
        %dma_start3A_26 = arith.constant 0 : i32
        %dma_start3A_27 = tpu.memref_slice %arg10[%add3A_24, %dma_start3A_26] : memref<10240x128xf32, #tpu.memory_space<vmem_shared>> -> memref<16x128xf32, #tpu.memory_space<vmem_shared>>
        tpu.enqueue_dma source(%arg9 : memref<16x128xf32, #tpu.memory_space<vmem>>) target(%dma_start3A_27 : memref<16x128xf32, #tpu.memory_space<vmem_shared>>) target_semaphore(%run_scoped3A : memref<!tpu.dma_semaphore, #tpu.memory_space<semaphore_mem>>)
        %dma_wait3A = arith.constant 0 : i32
        %dma_wait3A_28 = tpu.memref_slice %arg10[%add3A_24, %dma_wait3A] : memref<10240x128xf32, #tpu.memory_space<vmem_shared>> -> memref<16x128xf32, #tpu.memory_space<vmem_shared>>
        %dma_wait3A_29 = arith.constant 0 : i32
        %dma_wait3A_30 = tpu.memref_slice %arg10[%add3A_24, %dma_wait3A_29] : memref<10240x128xf32, #tpu.memory_space<vmem_shared>> -> memref<16x128xf32, #tpu.memory_space<vmem_shared>>
        tpu.wait_dma2 semaphore(%run_scoped3A : memref<!tpu.dma_semaphore, #tpu.memory_space<semaphore_mem>>) src(%arg9 : memref<16x128xf32, #tpu.memory_space<vmem>>) dst(%dma_wait3A_30 : memref<16x128xf32, #tpu.memory_space<vmem_shared>>)
        tpu.yield
      }) : () -> ()
    }
    %scan3A_7 = arith.constant 40 : i32
    "tpu.region"() ({
      %run_scoped3A = tpu.sem_alloc : memref<!tpu.dma_semaphore, #tpu.memory_space<semaphore_mem>>
      %dma_start3A = arith.constant 0 : i32
      %dma_start3A_21 = arith.constant 0 : i32
      %dma_start3A_22 = tpu.memref_slice %arg3[%add3A, %dma_start3A, %dma_start3A_21] : memref<32x79x128xi32, #tpu.memory_space<hbm>> -> memref<1x79x128xi32, #tpu.memory_space<hbm>>
      %dma_start3A_23 = tpu.memref_squeeze %dma_start3A_22 : memref<1x79x128xi32, #tpu.memory_space<hbm>> -> memref<79x128xi32, #tpu.memory_space<hbm>>
      %dma_start3A_24 = arith.constant 0 : i32
      %dma_start3A_25 = arith.constant 0 : i32
      %dma_start3A_26 = tpu.memref_slice %arg3[%add3A, %dma_start3A_24, %dma_start3A_25] : memref<32x79x128xi32, #tpu.memory_space<hbm>> -> memref<1x79x128xi32, #tpu.memory_space<hbm>>
      %dma_start3A_27 = tpu.memref_squeeze %dma_start3A_26 : memref<1x79x128xi32, #tpu.memory_space<hbm>> -> memref<79x128xi32, #tpu.memory_space<hbm>>
      tpu.enqueue_dma source(%dma_start3A_27 : memref<79x128xi32, #tpu.memory_space<hbm>>) target(%arg6 : memref<79x128xi32, #tpu.memory_space<vmem>>) target_semaphore(%run_scoped3A : memref<!tpu.dma_semaphore, #tpu.memory_space<semaphore_mem>>)
      %dma_wait3A = arith.constant 0 : i32
      %dma_wait3A_28 = arith.constant 0 : i32
      %dma_wait3A_29 = tpu.memref_slice %arg3[%add3A, %dma_wait3A, %dma_wait3A_28] : memref<32x79x128xi32, #tpu.memory_space<hbm>> -> memref<1x79x128xi32, #tpu.memory_space<hbm>>
      %dma_wait3A_30 = tpu.memref_squeeze %dma_wait3A_29 : memref<1x79x128xi32, #tpu.memory_space<hbm>> -> memref<79x128xi32, #tpu.memory_space<hbm>>
      %dma_wait3A_31 = arith.constant 0 : i32
      %dma_wait3A_32 = arith.constant 0 : i32
      %dma_wait3A_33 = tpu.memref_slice %arg3[%add3A, %dma_wait3A_31, %dma_wait3A_32] : memref<32x79x128xi32, #tpu.memory_space<hbm>> -> memref<1x79x128xi32, #tpu.memory_space<hbm>>
      %dma_wait3A_34 = tpu.memref_squeeze %dma_wait3A_33 : memref<1x79x128xi32, #tpu.memory_space<hbm>> -> memref<79x128xi32, #tpu.memory_space<hbm>>
      tpu.wait_dma2 semaphore(%run_scoped3A : memref<!tpu.dma_semaphore, #tpu.memory_space<semaphore_mem>>) src(%dma_wait3A_34 : memref<79x128xi32, #tpu.memory_space<hbm>>) dst(%arg6 : memref<79x128xi32, #tpu.memory_space<vmem>>)
      tpu.yield
    }) : () -> ()
    "tpu.region"() ({
      %run_scoped3A = tpu.sem_alloc : memref<!tpu.dma_semaphore, #tpu.memory_space<semaphore_mem>>
      %dma_start3A = arith.constant 0 : i32
      %dma_start3A_21 = arith.constant 0 : i32
      %dma_start3A_22 = tpu.memref_slice %arg4[%add3A, %dma_start3A, %dma_start3A_21] : memref<32x79x128xi32, #tpu.memory_space<hbm>> -> memref<1x79x128xi32, #tpu.memory_space<hbm>>
      %dma_start3A_23 = tpu.memref_squeeze %dma_start3A_22 : memref<1x79x128xi32, #tpu.memory_space<hbm>> -> memref<79x128xi32, #tpu.memory_space<hbm>>
      %dma_start3A_24 = arith.constant 0 : i32
      %dma_start3A_25 = arith.constant 0 : i32
      %dma_start3A_26 = tpu.memref_slice %arg4[%add3A, %dma_start3A_24, %dma_start3A_25] : memref<32x79x128xi32, #tpu.memory_space<hbm>> -> memref<1x79x128xi32, #tpu.memory_space<hbm>>
      %dma_start3A_27 = tpu.memref_squeeze %dma_start3A_26 : memref<1x79x128xi32, #tpu.memory_space<hbm>> -> memref<79x128xi32, #tpu.memory_space<hbm>>
      tpu.enqueue_dma source(%dma_start3A_27 : memref<79x128xi32, #tpu.memory_space<hbm>>) target(%arg7 : memref<79x128xi32, #tpu.memory_space<vmem>>) target_semaphore(%run_scoped3A : memref<!tpu.dma_semaphore, #tpu.memory_space<semaphore_mem>>)
      %dma_wait3A = arith.constant 0 : i32
      %dma_wait3A_28 = arith.constant 0 : i32
      %dma_wait3A_29 = tpu.memref_slice %arg4[%add3A, %dma_wait3A, %dma_wait3A_28] : memref<32x79x128xi32, #tpu.memory_space<hbm>> -> memref<1x79x128xi32, #tpu.memory_space<hbm>>
      %dma_wait3A_30 = tpu.memref_squeeze %dma_wait3A_29 : memref<1x79x128xi32, #tpu.memory_space<hbm>> -> memref<79x128xi32, #tpu.memory_space<hbm>>
      %dma_wait3A_31 = arith.constant 0 : i32
      %dma_wait3A_32 = arith.constant 0 : i32
      %dma_wait3A_33 = tpu.memref_slice %arg4[%add3A, %dma_wait3A_31, %dma_wait3A_32] : memref<32x79x128xi32, #tpu.memory_space<hbm>> -> memref<1x79x128xi32, #tpu.memory_space<hbm>>
      %dma_wait3A_34 = tpu.memref_squeeze %dma_wait3A_33 : memref<1x79x128xi32, #tpu.memory_space<hbm>> -> memref<79x128xi32, #tpu.memory_space<hbm>>
      tpu.wait_dma2 semaphore(%run_scoped3A : memref<!tpu.dma_semaphore, #tpu.memory_space<semaphore_mem>>) src(%dma_wait3A_34 : memref<79x128xi32, #tpu.memory_space<hbm>>) dst(%arg7 : memref<79x128xi32, #tpu.memory_space<vmem>>)
      tpu.yield
    }) : () -> ()
    %barrier3A = arith.constant 0 : index
    tpu.barrier barrier_id(%barrier3A)
    %scan3A_8 = arith.constant 0 : i32
    %scan3A_9 = arith.constant 0 : i32
    %scan3A_10 = arith.constant 79 : i32
    %scan3A_11 = arith.addi %scan3A_9, %scan3A_10 : i32
    %scan3A_12 = arith.constant 1 : i32
    scf.for %scan3A_21 = %scan3A_9 to %scan3A_11 step %scan3A_12  : i32 {
      %dma_start3A = arith.constant 0 : i32
      %dma_start3A_22 = tpu.memref_slice %arg6[%scan3A_21, %dma_start3A] : memref<79x128xi32, #tpu.memory_space<vmem>> -> memref<1x128xi32, #tpu.memory_space<vmem>>
      %dma_start3A_23 = tpu.memref_squeeze %dma_start3A_22 : memref<1x128xi32, #tpu.memory_space<vmem>> -> memref<128xi32, #tpu.memory_space<vmem>>
      %dma_start3A_24 = arith.constant 0 : i32
      %dma_start3A_25 = arith.constant 0 : i32
      %dma_start3A_26 = tpu.memref_slice %arg2[%dma_start3A_24, %dma_start3A_25] : memref<10240x128xf32, #tpu.memory_space<hbm>> -> memref<10240x128xf32, #tpu.memory_space<hbm>>
      tpu.enqueue_indirect_dma source(%dma_start3A_26 : memref<10240x128xf32, #tpu.memory_space<hbm>>) target(%arg8 : memref<128x128xf32, #tpu.memory_space<vmem>>) offsets(%dma_start3A_23 : memref<128xi32, #tpu.memory_space<vmem>>) semaphore(%arg11 : memref<!tpu.dma_semaphore, #tpu.memory_space<semaphore_mem>>)
      %dma_wait3A = arith.constant 0 : i32
      %dma_wait3A_27 = tpu.memref_slice %arg6[%scan3A_21, %dma_wait3A] : memref<79x128xi32, #tpu.memory_space<vmem>> -> memref<1x128xi32, #tpu.memory_space<vmem>>
      %dma_wait3A_28 = tpu.memref_squeeze %dma_wait3A_27 : memref<1x128xi32, #tpu.memory_space<vmem>> -> memref<128xi32, #tpu.memory_space<vmem>>
      %dma_wait3A_29 = arith.constant 0 : i32
      %dma_wait3A_30 = arith.constant 0 : i32
      %dma_wait3A_31 = tpu.memref_slice %arg2[%dma_wait3A_29, %dma_wait3A_30] : memref<10240x128xf32, #tpu.memory_space<hbm>> -> memref<10240x128xf32, #tpu.memory_space<hbm>>
      tpu.wait_indirect_dma semaphore(%arg11 : memref<!tpu.dma_semaphore, #tpu.memory_space<semaphore_mem>>) src(%dma_wait3A_31 : memref<10240x128xf32, #tpu.memory_space<hbm>>) dst(%arg8 : memref<128x128xf32, #tpu.memory_space<vmem>>)
      "tpu.region"() ({
        %run_scoped3A = tpu.sem_alloc : memref<!tpu.dma_semaphore, #tpu.memory_space<semaphore_mem>>
        %dma_start3A_32 = arith.constant 0 : i32
        %dma_start3A_33 = tpu.memref_slice %arg7[%scan3A_21, %dma_start3A_32] : memref<79x128xi32, #tpu.memory_space<vmem>> -> memref<1x128xi32, #tpu.memory_space<vmem>>
        %dma_start3A_34 = tpu.memref_squeeze %dma_start3A_33 : memref<1x128xi32, #tpu.memory_space<vmem>> -> memref<128xi32, #tpu.memory_space<vmem>>
        %dma_start3A_35 = arith.constant 0 : i32
        %dma_start3A_36 = arith.constant 0 : i32
        %dma_start3A_37 = tpu.memref_slice %arg10[%dma_start3A_35, %dma_start3A_36] : memref<10240x128xf32, #tpu.memory_space<vmem_shared>> -> memref<10240x128xf32, #tpu.memory_space<vmem_shared>>
        tpu.enqueue_indirect_dma source(%arg8 : memref<128x128xf32, #tpu.memory_space<vmem>>) target(%dma_start3A_37 : memref<10240x128xf32, #tpu.memory_space<vmem_shared>>) offsets(%dma_start3A_34 : memref<128xi32, #tpu.memory_space<vmem>>) semaphore(%run_scoped3A : memref<!tpu.dma_semaphore, #tpu.memory_space<semaphore_mem>>) {add = true}
        %dma_wait3A_38 = arith.constant 0 : i32
        %dma_wait3A_39 = tpu.memref_slice %arg7[%scan3A_21, %dma_wait3A_38] : memref<79x128xi32, #tpu.memory_space<vmem>> -> memref<1x128xi32, #tpu.memory_space<vmem>>
        %dma_wait3A_40 = tpu.memref_squeeze %dma_wait3A_39 : memref<1x128xi32, #tpu.memory_space<vmem>> -> memref<128xi32, #tpu.memory_space<vmem>>
        %dma_wait3A_41 = arith.constant 0 : i32
        %dma_wait3A_42 = arith.constant 0 : i32
        %dma_wait3A_43 = tpu.memref_slice %arg10[%dma_wait3A_41, %dma_wait3A_42] : memref<10240x128xf32, #tpu.memory_space<vmem_shared>> -> memref<10240x128xf32, #tpu.memory_space<vmem_shared>>
        tpu.wait_indirect_dma semaphore(%run_scoped3A : memref<!tpu.dma_semaphore, #tpu.memory_space<semaphore_mem>>) src(%arg8 : memref<128x128xf32, #tpu.memory_space<vmem>>) dst(%dma_wait3A_43 : memref<10240x128xf32, #tpu.memory_space<vmem_shared>>)
        tpu.yield
      }) : () -> ()
    }
    %scan3A_13 = arith.constant 79 : i32
    %barrier3A_14 = arith.constant 0 : index
    tpu.barrier barrier_id(%barrier3A_14)
    %scan3A_15 = arith.constant 0 : i32
    %scan3A_16 = arith.constant 0 : i32
    %scan3A_17 = arith.constant 5 : i32
    %scan3A_18 = arith.addi %scan3A_16, %scan3A_17 : i32
    %scan3A_19 = arith.constant 1 : i32
    scf.for %scan3A_21 = %scan3A_16 to %scan3A_18 step %scan3A_19  : i32 {
      %mul3A_22 = arith.constant 128 : i32
      %mul3A_23 = arith.muli %mul3A_22, %scan3A_21 : i32
      %add3A_24 = arith.addi %mul3A_2, %mul3A_23 : i32
      "tpu.region"() ({
        %run_scoped3A = tpu.sem_alloc : memref<!tpu.dma_semaphore, #tpu.memory_space<semaphore_mem>>
        %dma_start3A = arith.constant 0 : i32
        %dma_start3A_25 = tpu.memref_slice %arg10[%add3A_24, %dma_start3A] : memref<10240x128xf32, #tpu.memory_space<vmem_shared>> -> memref<128x128xf32, #tpu.memory_space<vmem_shared>>
        %dma_start3A_26 = arith.constant 0 : i32
        %dma_start3A_27 = tpu.memref_slice %arg10[%add3A_24, %dma_start3A_26] : memref<10240x128xf32, #tpu.memory_space<vmem_shared>> -> memref<128x128xf32, #tpu.memory_space<vmem_shared>>
        tpu.enqueue_dma source(%dma_start3A_27 : memref<128x128xf32, #tpu.memory_space<vmem_shared>>) target(%arg8 : memref<128x128xf32, #tpu.memory_space<vmem>>) target_semaphore(%run_scoped3A : memref<!tpu.dma_semaphore, #tpu.memory_space<semaphore_mem>>)
        %dma_wait3A = arith.constant 0 : i32
        %dma_wait3A_28 = tpu.memref_slice %arg10[%add3A_24, %dma_wait3A] : memref<10240x128xf32, #tpu.memory_space<vmem_shared>> -> memref<128x128xf32, #tpu.memory_space<vmem_shared>>
        %dma_wait3A_29 = arith.constant 0 : i32
        %dma_wait3A_30 = tpu.memref_slice %arg10[%add3A_24, %dma_wait3A_29] : memref<10240x128xf32, #tpu.memory_space<vmem_shared>> -> memref<128x128xf32, #tpu.memory_space<vmem_shared>>
        tpu.wait_dma2 semaphore(%run_scoped3A : memref<!tpu.dma_semaphore, #tpu.memory_space<semaphore_mem>>) src(%dma_wait3A_30 : memref<128x128xf32, #tpu.memory_space<vmem_shared>>) dst(%arg8 : memref<128x128xf32, #tpu.memory_space<vmem>>)
        tpu.yield
      }) : () -> ()
      "tpu.region"() ({
        %run_scoped3A = tpu.sem_alloc : memref<!tpu.dma_semaphore, #tpu.memory_space<semaphore_mem>>
        %dma_start3A = arith.constant 0 : i32
        %dma_start3A_25 = tpu.memref_slice %arg5[%arg0, %add3A_24, %dma_start3A] : memref<2x10240x128xf32, #tpu.memory_space<hbm>> -> memref<1x128x128xf32, #tpu.memory_space<hbm>>
        %dma_start3A_26 = tpu.memref_squeeze %dma_start3A_25 : memref<1x128x128xf32, #tpu.memory_space<hbm>> -> memref<128x128xf32, #tpu.memory_space<hbm>>
        %dma_start3A_27 = arith.constant 0 : i32
        %dma_start3A_28 = tpu.memref_slice %arg5[%arg0, %add3A_24, %dma_start3A_27] : memref<2x10240x128xf32, #tpu.memory_space<hbm>> -> memref<1x128x128xf32, #tpu.memory_space<hbm>>
        %dma_start3A_29 = tpu.memref_squeeze %dma_start3A_28 : memref<1x128x128xf32, #tpu.memory_space<hbm>> -> memref<128x128xf32, #tpu.memory_space<hbm>>
        tpu.enqueue_dma source(%arg8 : memref<128x128xf32, #tpu.memory_space<vmem>>) target(%dma_start3A_29 : memref<128x128xf32, #tpu.memory_space<hbm>>) target_semaphore(%run_scoped3A : memref<!tpu.dma_semaphore, #tpu.memory_space<semaphore_mem>>)
        %dma_wait3A = arith.constant 0 : i32
        %dma_wait3A_30 = tpu.memref_slice %arg5[%arg0, %add3A_24, %dma_wait3A] : memref<2x10240x128xf32, #tpu.memory_space<hbm>> -> memref<1x128x128xf32, #tpu.memory_space<hbm>>
        %dma_wait3A_31 = tpu.memref_squeeze %dma_wait3A_30 : memref<1x128x128xf32, #tpu.memory_space<hbm>> -> memref<128x128xf32, #tpu.memory_space<hbm>>
        %dma_wait3A_32 = arith.constant 0 : i32
        %dma_wait3A_33 = tpu.memref_slice %arg5[%arg0, %add3A_24, %dma_wait3A_32] : memref<2x10240x128xf32, #tpu.memory_space<hbm>> -> memref<1x128x128xf32, #tpu.memory_space<hbm>>
        %dma_wait3A_34 = tpu.memref_squeeze %dma_wait3A_33 : memref<1x128x128xf32, #tpu.memory_space<hbm>> -> memref<128x128xf32, #tpu.memory_space<hbm>>
        tpu.wait_dma2 semaphore(%run_scoped3A : memref<!tpu.dma_semaphore, #tpu.memory_space<semaphore_mem>>) src(%arg8 : memref<128x128xf32, #tpu.memory_space<vmem>>) dst(%dma_wait3A_34 : memref<128x128xf32, #tpu.memory_space<hbm>>)
        tpu.yield
      }) : () -> ()
    }
    %scan3A_20 = arith.constant 5 : i32
    return
  }
}

#map = affine_map<(d0, d1) -> (0, 0)>
#map1 = affine_map<(d0, d1) -> (0, 0, 0)>
module attributes {stable_mosaic.version = 14 : i64} {
  func.func @_push(%arg0: i32, %arg1: i32, %arg2: memref<10240x128xf32, #tpu.memory_space<hbm>>, %arg3: memref<32x79x128xi32, #tpu.memory_space<hbm>>, %arg4: memref<32x79x128xi32, #tpu.memory_space<hbm>>, %arg5: memref<2x10240x128xf32, #tpu.memory_space<hbm>>, %arg6: memref<79x128xi32, #tpu.memory_space<vmem>>, %arg7: memref<79x128xi32, #tpu.memory_space<vmem>>, %arg8: memref<128x128xf32, #tpu.memory_space<vmem>>, %arg9: memref<16x128xf32, #tpu.memory_space<vmem>>, %arg10: memref<10240x128xf32, #tpu.memory_space<vmem_shared>>, %arg11: memref<!tpu.dma_semaphore, #tpu.memory_space<semaphore_mem>>) attributes {dimension_semantics = [#tpu.dimension_semantics<core_parallel>, #tpu.dimension_semantics<subcore_parallel>], iteration_bounds = array<i64: 2, 16>, scalar_prefetch = 0 : i64, scratch_operands = 6 : i64, tpu.core_type = #tpu.core_type<sc_vector_subcore>, window_params = [{transform_indices = #map}, {transform_indices = #map1}, {transform_indices = #map1}, {transform_indices = #map1}]} {
    %mul3A = arith.constant 16 : i32
    %mul3A_0 = arith.muli %arg0, %mul3A : i32
    %add3A = arith.addi %mul3A_0, %arg1 : i32
    %mul3A_1 = arith.constant 640 : i32
    %mul3A_2 = arith.muli %arg1, %mul3A_1 : i32
    "tpu.region"() ({
      %run_scoped3A = tpu.sem_alloc : memref<!tpu.dma_semaphore, #tpu.memory_space<semaphore_mem>>
      %dma_start3A = arith.constant 10016 : i32
      %dma_start3A_21 = arith.constant 0 : i32
      %dma_start3A_22 = tpu.memref_slice %arg2[%dma_start3A, %dma_start3A_21] : memref<10240x128xf32, #tpu.memory_space<hbm>> -> memref<16x128xf32, #tpu.memory_space<hbm>>
      %dma_start3A_23 = arith.constant 10016 : i32
      %dma_start3A_24 = arith.constant 0 : i32
      %dma_start3A_25 = tpu.memref_slice %arg2[%dma_start3A_23, %dma_start3A_24] : memref<10240x128xf32, #tpu.memory_space<hbm>> -> memref<16x128xf32, #tpu.memory_space<hbm>>
      tpu.enqueue_dma source(%dma_start3A_25 : memref<16x128xf32, #tpu.memory_space<hbm>>) target(%arg9 : memref<16x128xf32, #tpu.memory_space<vmem>>) target_semaphore(%run_scoped3A : memref<!tpu.dma_semaphore, #tpu.memory_space<semaphore_mem>>)
      %dma_wait3A = arith.constant 10016 : i32
      %dma_wait3A_26 = arith.constant 0 : i32
      %dma_wait3A_27 = tpu.memref_slice %arg2[%dma_wait3A, %dma_wait3A_26] : memref<10240x128xf32, #tpu.memory_space<hbm>> -> memref<16x128xf32, #tpu.memory_space<hbm>>
      %dma_wait3A_28 = arith.constant 10016 : i32
      %dma_wait3A_29 = arith.constant 0 : i32
      %dma_wait3A_30 = tpu.memref_slice %arg2[%dma_wait3A_28, %dma_wait3A_29] : memref<10240x128xf32, #tpu.memory_space<hbm>> -> memref<16x128xf32, #tpu.memory_space<hbm>>
      tpu.wait_dma2 semaphore(%run_scoped3A : memref<!tpu.dma_semaphore, #tpu.memory_space<semaphore_mem>>) src(%dma_wait3A_30 : memref<16x128xf32, #tpu.memory_space<hbm>>) dst(%arg9 : memref<16x128xf32, #tpu.memory_space<vmem>>)
      tpu.yield
    }) : () -> ()
    %scan3A = arith.constant 0 : i32
    %scan3A_3 = arith.constant 0 : i32
    %scan3A_4 = arith.constant 40 : i32
    %scan3A_5 = arith.addi %scan3A_3, %scan3A_4 : i32
    %scan3A_6 = arith.constant 1 : i32
    scf.for %scan3A_21 = %scan3A_3 to %scan3A_5 step %scan3A_6  : i32 {
      %mul3A_22 = arith.constant 16 : i32
      %mul3A_23 = arith.muli %mul3A_22, %scan3A_21 : i32
      %add3A_24 = arith.addi %mul3A_2, %mul3A_23 : i32
      "tpu.region"() ({
        %run_scoped3A = tpu.sem_alloc : memref<!tpu.dma_semaphore, #tpu.memory_space<semaphore_mem>>
        %dma_start3A = arith.constant 0 : i32
        %dma_start3A_25 = tpu.memref_slice %arg10[%add3A_24, %dma_start3A] : memref<10240x128xf32, #tpu.memory_space<vmem_shared>> -> memref<16x128xf32, #tpu.memory_space<vmem_shared>>
        %dma_start3A_26 = arith.constant 0 : i32
        %dma_start3A_27 = tpu.memref_slice %arg10[%add3A_24, %dma_start3A_26] : memref<10240x128xf32, #tpu.memory_space<vmem_shared>> -> memref<16x128xf32, #tpu.memory_space<vmem_shared>>
        tpu.enqueue_dma source(%arg9 : memref<16x128xf32, #tpu.memory_space<vmem>>) target(%dma_start3A_27 : memref<16x128xf32, #tpu.memory_space<vmem_shared>>) target_semaphore(%run_scoped3A : memref<!tpu.dma_semaphore, #tpu.memory_space<semaphore_mem>>)
        %dma_wait3A = arith.constant 0 : i32
        %dma_wait3A_28 = tpu.memref_slice %arg10[%add3A_24, %dma_wait3A] : memref<10240x128xf32, #tpu.memory_space<vmem_shared>> -> memref<16x128xf32, #tpu.memory_space<vmem_shared>>
        %dma_wait3A_29 = arith.constant 0 : i32
        %dma_wait3A_30 = tpu.memref_slice %arg10[%add3A_24, %dma_wait3A_29] : memref<10240x128xf32, #tpu.memory_space<vmem_shared>> -> memref<16x128xf32, #tpu.memory_space<vmem_shared>>
        tpu.wait_dma2 semaphore(%run_scoped3A : memref<!tpu.dma_semaphore, #tpu.memory_space<semaphore_mem>>) src(%arg9 : memref<16x128xf32, #tpu.memory_space<vmem>>) dst(%dma_wait3A_30 : memref<16x128xf32, #tpu.memory_space<vmem_shared>>)
        tpu.yield
      }) : () -> ()
    }
    %scan3A_7 = arith.constant 40 : i32
    "tpu.region"() ({
      %run_scoped3A = tpu.sem_alloc : memref<!tpu.dma_semaphore, #tpu.memory_space<semaphore_mem>>
      %dma_start3A = arith.constant 0 : i32
      %dma_start3A_21 = arith.constant 0 : i32
      %dma_start3A_22 = tpu.memref_slice %arg3[%add3A, %dma_start3A, %dma_start3A_21] : memref<32x79x128xi32, #tpu.memory_space<hbm>> -> memref<1x79x128xi32, #tpu.memory_space<hbm>>
      %dma_start3A_23 = tpu.memref_squeeze %dma_start3A_22 : memref<1x79x128xi32, #tpu.memory_space<hbm>> -> memref<79x128xi32, #tpu.memory_space<hbm>>
      %dma_start3A_24 = arith.constant 0 : i32
      %dma_start3A_25 = arith.constant 0 : i32
      %dma_start3A_26 = tpu.memref_slice %arg3[%add3A, %dma_start3A_24, %dma_start3A_25] : memref<32x79x128xi32, #tpu.memory_space<hbm>> -> memref<1x79x128xi32, #tpu.memory_space<hbm>>
      %dma_start3A_27 = tpu.memref_squeeze %dma_start3A_26 : memref<1x79x128xi32, #tpu.memory_space<hbm>> -> memref<79x128xi32, #tpu.memory_space<hbm>>
      tpu.enqueue_dma source(%dma_start3A_27 : memref<79x128xi32, #tpu.memory_space<hbm>>) target(%arg6 : memref<79x128xi32, #tpu.memory_space<vmem>>) target_semaphore(%run_scoped3A : memref<!tpu.dma_semaphore, #tpu.memory_space<semaphore_mem>>)
      %dma_wait3A = arith.constant 0 : i32
      %dma_wait3A_28 = arith.constant 0 : i32
      %dma_wait3A_29 = tpu.memref_slice %arg3[%add3A, %dma_wait3A, %dma_wait3A_28] : memref<32x79x128xi32, #tpu.memory_space<hbm>> -> memref<1x79x128xi32, #tpu.memory_space<hbm>>
      %dma_wait3A_30 = tpu.memref_squeeze %dma_wait3A_29 : memref<1x79x128xi32, #tpu.memory_space<hbm>> -> memref<79x128xi32, #tpu.memory_space<hbm>>
      %dma_wait3A_31 = arith.constant 0 : i32
      %dma_wait3A_32 = arith.constant 0 : i32
      %dma_wait3A_33 = tpu.memref_slice %arg3[%add3A, %dma_wait3A_31, %dma_wait3A_32] : memref<32x79x128xi32, #tpu.memory_space<hbm>> -> memref<1x79x128xi32, #tpu.memory_space<hbm>>
      %dma_wait3A_34 = tpu.memref_squeeze %dma_wait3A_33 : memref<1x79x128xi32, #tpu.memory_space<hbm>> -> memref<79x128xi32, #tpu.memory_space<hbm>>
      tpu.wait_dma2 semaphore(%run_scoped3A : memref<!tpu.dma_semaphore, #tpu.memory_space<semaphore_mem>>) src(%dma_wait3A_34 : memref<79x128xi32, #tpu.memory_space<hbm>>) dst(%arg6 : memref<79x128xi32, #tpu.memory_space<vmem>>)
      tpu.yield
    }) : () -> ()
    "tpu.region"() ({
      %run_scoped3A = tpu.sem_alloc : memref<!tpu.dma_semaphore, #tpu.memory_space<semaphore_mem>>
      %dma_start3A = arith.constant 0 : i32
      %dma_start3A_21 = arith.constant 0 : i32
      %dma_start3A_22 = tpu.memref_slice %arg4[%add3A, %dma_start3A, %dma_start3A_21] : memref<32x79x128xi32, #tpu.memory_space<hbm>> -> memref<1x79x128xi32, #tpu.memory_space<hbm>>
      %dma_start3A_23 = tpu.memref_squeeze %dma_start3A_22 : memref<1x79x128xi32, #tpu.memory_space<hbm>> -> memref<79x128xi32, #tpu.memory_space<hbm>>
      %dma_start3A_24 = arith.constant 0 : i32
      %dma_start3A_25 = arith.constant 0 : i32
      %dma_start3A_26 = tpu.memref_slice %arg4[%add3A, %dma_start3A_24, %dma_start3A_25] : memref<32x79x128xi32, #tpu.memory_space<hbm>> -> memref<1x79x128xi32, #tpu.memory_space<hbm>>
      %dma_start3A_27 = tpu.memref_squeeze %dma_start3A_26 : memref<1x79x128xi32, #tpu.memory_space<hbm>> -> memref<79x128xi32, #tpu.memory_space<hbm>>
      tpu.enqueue_dma source(%dma_start3A_27 : memref<79x128xi32, #tpu.memory_space<hbm>>) target(%arg7 : memref<79x128xi32, #tpu.memory_space<vmem>>) target_semaphore(%run_scoped3A : memref<!tpu.dma_semaphore, #tpu.memory_space<semaphore_mem>>)
      %dma_wait3A = arith.constant 0 : i32
      %dma_wait3A_28 = arith.constant 0 : i32
      %dma_wait3A_29 = tpu.memref_slice %arg4[%add3A, %dma_wait3A, %dma_wait3A_28] : memref<32x79x128xi32, #tpu.memory_space<hbm>> -> memref<1x79x128xi32, #tpu.memory_space<hbm>>
      %dma_wait3A_30 = tpu.memref_squeeze %dma_wait3A_29 : memref<1x79x128xi32, #tpu.memory_space<hbm>> -> memref<79x128xi32, #tpu.memory_space<hbm>>
      %dma_wait3A_31 = arith.constant 0 : i32
      %dma_wait3A_32 = arith.constant 0 : i32
      %dma_wait3A_33 = tpu.memref_slice %arg4[%add3A, %dma_wait3A_31, %dma_wait3A_32] : memref<32x79x128xi32, #tpu.memory_space<hbm>> -> memref<1x79x128xi32, #tpu.memory_space<hbm>>
      %dma_wait3A_34 = tpu.memref_squeeze %dma_wait3A_33 : memref<1x79x128xi32, #tpu.memory_space<hbm>> -> memref<79x128xi32, #tpu.memory_space<hbm>>
      tpu.wait_dma2 semaphore(%run_scoped3A : memref<!tpu.dma_semaphore, #tpu.memory_space<semaphore_mem>>) src(%dma_wait3A_34 : memref<79x128xi32, #tpu.memory_space<hbm>>) dst(%arg7 : memref<79x128xi32, #tpu.memory_space<vmem>>)
      tpu.yield
    }) : () -> ()
    %barrier3A = arith.constant 0 : index
    tpu.barrier barrier_id(%barrier3A)
    %scan3A_8 = arith.constant 0 : i32
    %scan3A_9 = arith.constant 0 : i32
    %scan3A_10 = arith.constant 79 : i32
    %scan3A_11 = arith.addi %scan3A_9, %scan3A_10 : i32
    %scan3A_12 = arith.constant 1 : i32
    scf.for %scan3A_21 = %scan3A_9 to %scan3A_11 step %scan3A_12  : i32 {
      %dma_start3A = arith.constant 0 : i32
      %dma_start3A_22 = tpu.memref_slice %arg6[%scan3A_21, %dma_start3A] : memref<79x128xi32, #tpu.memory_space<vmem>> -> memref<1x128xi32, #tpu.memory_space<vmem>>
      %dma_start3A_23 = tpu.memref_squeeze %dma_start3A_22 : memref<1x128xi32, #tpu.memory_space<vmem>> -> memref<128xi32, #tpu.memory_space<vmem>>
      %dma_start3A_24 = arith.constant 0 : i32
      %dma_start3A_25 = arith.constant 0 : i32
      %dma_start3A_26 = tpu.memref_slice %arg2[%dma_start3A_24, %dma_start3A_25] : memref<10240x128xf32, #tpu.memory_space<hbm>> -> memref<10240x128xf32, #tpu.memory_space<hbm>>
      tpu.enqueue_indirect_dma source(%dma_start3A_26 : memref<10240x128xf32, #tpu.memory_space<hbm>>) target(%arg8 : memref<128x128xf32, #tpu.memory_space<vmem>>) offsets(%dma_start3A_23 : memref<128xi32, #tpu.memory_space<vmem>>) semaphore(%arg11 : memref<!tpu.dma_semaphore, #tpu.memory_space<semaphore_mem>>)
      %dma_wait3A = arith.constant 0 : i32
      %dma_wait3A_27 = tpu.memref_slice %arg6[%scan3A_21, %dma_wait3A] : memref<79x128xi32, #tpu.memory_space<vmem>> -> memref<1x128xi32, #tpu.memory_space<vmem>>
      %dma_wait3A_28 = tpu.memref_squeeze %dma_wait3A_27 : memref<1x128xi32, #tpu.memory_space<vmem>> -> memref<128xi32, #tpu.memory_space<vmem>>
      %dma_wait3A_29 = arith.constant 0 : i32
      %dma_wait3A_30 = arith.constant 0 : i32
      %dma_wait3A_31 = tpu.memref_slice %arg2[%dma_wait3A_29, %dma_wait3A_30] : memref<10240x128xf32, #tpu.memory_space<hbm>> -> memref<10240x128xf32, #tpu.memory_space<hbm>>
      tpu.wait_indirect_dma semaphore(%arg11 : memref<!tpu.dma_semaphore, #tpu.memory_space<semaphore_mem>>) src(%dma_wait3A_31 : memref<10240x128xf32, #tpu.memory_space<hbm>>) dst(%arg8 : memref<128x128xf32, #tpu.memory_space<vmem>>)
      "tpu.region"() ({
        %run_scoped3A = tpu.sem_alloc : memref<!tpu.dma_semaphore, #tpu.memory_space<semaphore_mem>>
        %dma_start3A_32 = arith.constant 0 : i32
        %dma_start3A_33 = tpu.memref_slice %arg7[%scan3A_21, %dma_start3A_32] : memref<79x128xi32, #tpu.memory_space<vmem>> -> memref<1x128xi32, #tpu.memory_space<vmem>>
        %dma_start3A_34 = tpu.memref_squeeze %dma_start3A_33 : memref<1x128xi32, #tpu.memory_space<vmem>> -> memref<128xi32, #tpu.memory_space<vmem>>
        %dma_start3A_35 = arith.constant 0 : i32
        %dma_start3A_36 = arith.constant 0 : i32
        %dma_start3A_37 = tpu.memref_slice %arg10[%dma_start3A_35, %dma_start3A_36] : memref<10240x128xf32, #tpu.memory_space<vmem_shared>> -> memref<10240x128xf32, #tpu.memory_space<vmem_shared>>
        tpu.enqueue_indirect_dma source(%arg8 : memref<128x128xf32, #tpu.memory_space<vmem>>) target(%dma_start3A_37 : memref<10240x128xf32, #tpu.memory_space<vmem_shared>>) offsets(%dma_start3A_34 : memref<128xi32, #tpu.memory_space<vmem>>) semaphore(%run_scoped3A : memref<!tpu.dma_semaphore, #tpu.memory_space<semaphore_mem>>) {add = true}
        %dma_wait3A_38 = arith.constant 0 : i32
        %dma_wait3A_39 = tpu.memref_slice %arg7[%scan3A_21, %dma_wait3A_38] : memref<79x128xi32, #tpu.memory_space<vmem>> -> memref<1x128xi32, #tpu.memory_space<vmem>>
        %dma_wait3A_40 = tpu.memref_squeeze %dma_wait3A_39 : memref<1x128xi32, #tpu.memory_space<vmem>> -> memref<128xi32, #tpu.memory_space<vmem>>
        %dma_wait3A_41 = arith.constant 0 : i32
        %dma_wait3A_42 = arith.constant 0 : i32
        %dma_wait3A_43 = tpu.memref_slice %arg10[%dma_wait3A_41, %dma_wait3A_42] : memref<10240x128xf32, #tpu.memory_space<vmem_shared>> -> memref<10240x128xf32, #tpu.memory_space<vmem_shared>>
        tpu.wait_indirect_dma semaphore(%run_scoped3A : memref<!tpu.dma_semaphore, #tpu.memory_space<semaphore_mem>>) src(%arg8 : memref<128x128xf32, #tpu.memory_space<vmem>>) dst(%dma_wait3A_43 : memref<10240x128xf32, #tpu.memory_space<vmem_shared>>)
        tpu.yield
      }) : () -> ()
    }
    %scan3A_13 = arith.constant 79 : i32
    %barrier3A_14 = arith.constant 0 : index
    tpu.barrier barrier_id(%barrier3A_14)
    %scan3A_15 = arith.constant 0 : i32
    %scan3A_16 = arith.constant 0 : i32
    %scan3A_17 = arith.constant 5 : i32
    %scan3A_18 = arith.addi %scan3A_16, %scan3A_17 : i32
    %scan3A_19 = arith.constant 1 : i32
    scf.for %scan3A_21 = %scan3A_16 to %scan3A_18 step %scan3A_19  : i32 {
      %mul3A_22 = arith.constant 128 : i32
      %mul3A_23 = arith.muli %mul3A_22, %scan3A_21 : i32
      %add3A_24 = arith.addi %mul3A_2, %mul3A_23 : i32
      "tpu.region"() ({
        %run_scoped3A = tpu.sem_alloc : memref<!tpu.dma_semaphore, #tpu.memory_space<semaphore_mem>>
        %dma_start3A = arith.constant 0 : i32
        %dma_start3A_25 = tpu.memref_slice %arg10[%add3A_24, %dma_start3A] : memref<10240x128xf32, #tpu.memory_space<vmem_shared>> -> memref<128x128xf32, #tpu.memory_space<vmem_shared>>
        %dma_start3A_26 = arith.constant 0 : i32
        %dma_start3A_27 = tpu.memref_slice %arg10[%add3A_24, %dma_start3A_26] : memref<10240x128xf32, #tpu.memory_space<vmem_shared>> -> memref<128x128xf32, #tpu.memory_space<vmem_shared>>
        tpu.enqueue_dma source(%dma_start3A_27 : memref<128x128xf32, #tpu.memory_space<vmem_shared>>) target(%arg8 : memref<128x128xf32, #tpu.memory_space<vmem>>) target_semaphore(%run_scoped3A : memref<!tpu.dma_semaphore, #tpu.memory_space<semaphore_mem>>)
        %dma_wait3A = arith.constant 0 : i32
        %dma_wait3A_28 = tpu.memref_slice %arg10[%add3A_24, %dma_wait3A] : memref<10240x128xf32, #tpu.memory_space<vmem_shared>> -> memref<128x128xf32, #tpu.memory_space<vmem_shared>>
        %dma_wait3A_29 = arith.constant 0 : i32
        %dma_wait3A_30 = tpu.memref_slice %arg10[%add3A_24, %dma_wait3A_29] : memref<10240x128xf32, #tpu.memory_space<vmem_shared>> -> memref<128x128xf32, #tpu.memory_space<vmem_shared>>
        tpu.wait_dma2 semaphore(%run_scoped3A : memref<!tpu.dma_semaphore, #tpu.memory_space<semaphore_mem>>) src(%dma_wait3A_30 : memref<128x128xf32, #tpu.memory_space<vmem_shared>>) dst(%arg8 : memref<128x128xf32, #tpu.memory_space<vmem>>)
        tpu.yield
      }) : () -> ()
      "tpu.region"() ({
        %run_scoped3A = tpu.sem_alloc : memref<!tpu.dma_semaphore, #tpu.memory_space<semaphore_mem>>
        %dma_start3A = arith.constant 0 : i32
        %dma_start3A_25 = tpu.memref_slice %arg5[%arg0, %add3A_24, %dma_start3A] : memref<2x10240x128xf32, #tpu.memory_space<hbm>> -> memref<1x128x128xf32, #tpu.memory_space<hbm>>
        %dma_start3A_26 = tpu.memref_squeeze %dma_start3A_25 : memref<1x128x128xf32, #tpu.memory_space<hbm>> -> memref<128x128xf32, #tpu.memory_space<hbm>>
        %dma_start3A_27 = arith.constant 0 : i32
        %dma_start3A_28 = tpu.memref_slice %arg5[%arg0, %add3A_24, %dma_start3A_27] : memref<2x10240x128xf32, #tpu.memory_space<hbm>> -> memref<1x128x128xf32, #tpu.memory_space<hbm>>
        %dma_start3A_29 = tpu.memref_squeeze %dma_start3A_28 : memref<1x128x128xf32, #tpu.memory_space<hbm>> -> memref<128x128xf32, #tpu.memory_space<hbm>>
        tpu.enqueue_dma source(%arg8 : memref<128x128xf32, #tpu.memory_space<vmem>>) target(%dma_start3A_29 : memref<128x128xf32, #tpu.memory_space<hbm>>) target_semaphore(%run_scoped3A : memref<!tpu.dma_semaphore, #tpu.memory_space<semaphore_mem>>)
        %dma_wait3A = arith.constant 0 : i32
        %dma_wait3A_30 = tpu.memref_slice %arg5[%arg0, %add3A_24, %dma_wait3A] : memref<2x10240x128xf32, #tpu.memory_space<hbm>> -> memref<1x128x128xf32, #tpu.memory_space<hbm>>
        %dma_wait3A_31 = tpu.memref_squeeze %dma_wait3A_30 : memref<1x128x128xf32, #tpu.memory_space<hbm>> -> memref<128x128xf32, #tpu.memory_space<hbm>>
        %dma_wait3A_32 = arith.constant 0 : i32
        %dma_wait3A_33 = tpu.memref_slice %arg5[%arg0, %add3A_24, %dma_wait3A_32] : memref<2x10240x128xf32, #tpu.memory_space<hbm>> -> memref<1x128x128xf32, #tpu.memory_space<hbm>>
        %dma_wait3A_34 = tpu.memref_squeeze %dma_wait3A_33 : memref<1x128x128xf32, #tpu.memory_space<hbm>> -> memref<128x128xf32, #tpu.memory_space<hbm>>
        tpu.wait_dma2 semaphore(%run_scoped3A : memref<!tpu.dma_semaphore, #tpu.memory_space<semaphore_mem>>) src(%arg8 : memref<128x128xf32, #tpu.memory_space<vmem>>) dst(%dma_wait3A_34 : memref<128x128xf32, #tpu.memory_space<hbm>>)
        tpu.yield
      }) : () -> ()
    }
    %scan3A_20 = arith.constant 5 : i32
    return
  }
}

#map = affine_map<(d0, d1) -> (0, 0, 0)>
#map1 = affine_map<(d0, d1) -> (0, 0)>
module attributes {stable_mosaic.version = 14 : i64} {
  func.func @_deg_sc(%arg0: i32, %arg1: i32, %arg2: memref<32x79x128xi32, #tpu.memory_space<hbm>>, %arg3: memref<128x16xf32, #tpu.memory_space<hbm>>, %arg4: memref<16x16xf32, #tpu.memory_space<hbm>>, %arg5: memref<2x10240x16xf32, #tpu.memory_space<hbm>>, %arg6: memref<79x128xi32, #tpu.memory_space<vmem>>, %arg7: memref<128x16xf32, #tpu.memory_space<vmem>>, %arg8: memref<16x16xf32, #tpu.memory_space<vmem>>, %arg9: memref<160x16xf32, #tpu.memory_space<vmem>>, %arg10: memref<10240x16xf32, #tpu.memory_space<vmem_shared>>, %arg11: memref<!tpu.dma_semaphore, #tpu.memory_space<semaphore_mem>>) attributes {dimension_semantics = [#tpu.dimension_semantics<core_parallel>, #tpu.dimension_semantics<subcore_parallel>], iteration_bounds = array<i64: 2, 16>, scalar_prefetch = 0 : i64, scratch_operands = 6 : i64, tpu.core_type = #tpu.core_type<sc_vector_subcore>, window_params = [{transform_indices = #map}, {transform_indices = #map1}, {transform_indices = #map1}, {transform_indices = #map}]} {
    %mul3A = arith.constant 16 : i32
    %mul3A_0 = arith.muli %arg0, %mul3A : i32
    %add3A = arith.addi %mul3A_0, %arg1 : i32
    %mul3A_1 = arith.constant 640 : i32
    %mul3A_2 = arith.muli %arg1, %mul3A_1 : i32
    "tpu.region"() ({
      %run_scoped3A = tpu.sem_alloc : memref<!tpu.dma_semaphore, #tpu.memory_space<semaphore_mem>>
      tpu.enqueue_dma source(%arg3 : memref<128x16xf32, #tpu.memory_space<hbm>>) target(%arg7 : memref<128x16xf32, #tpu.memory_space<vmem>>) target_semaphore(%run_scoped3A : memref<!tpu.dma_semaphore, #tpu.memory_space<semaphore_mem>>)
      tpu.wait_dma2 semaphore(%run_scoped3A : memref<!tpu.dma_semaphore, #tpu.memory_space<semaphore_mem>>) src(%arg3 : memref<128x16xf32, #tpu.memory_space<hbm>>) dst(%arg7 : memref<128x16xf32, #tpu.memory_space<vmem>>)
      tpu.yield
    }) : () -> ()
    "tpu.region"() ({
      %run_scoped3A = tpu.sem_alloc : memref<!tpu.dma_semaphore, #tpu.memory_space<semaphore_mem>>
      tpu.enqueue_dma source(%arg4 : memref<16x16xf32, #tpu.memory_space<hbm>>) target(%arg8 : memref<16x16xf32, #tpu.memory_space<vmem>>) target_semaphore(%run_scoped3A : memref<!tpu.dma_semaphore, #tpu.memory_space<semaphore_mem>>)
      tpu.wait_dma2 semaphore(%run_scoped3A : memref<!tpu.dma_semaphore, #tpu.memory_space<semaphore_mem>>) src(%arg4 : memref<16x16xf32, #tpu.memory_space<hbm>>) dst(%arg8 : memref<16x16xf32, #tpu.memory_space<vmem>>)
      tpu.yield
    }) : () -> ()
    %scan3A = arith.constant 0 : i32
    %scan3A_3 = arith.constant 0 : i32
    %scan3A_4 = arith.constant 40 : i32
    %scan3A_5 = arith.addi %scan3A_3, %scan3A_4 : i32
    %scan3A_6 = arith.constant 1 : i32
    scf.for %scan3A_21 = %scan3A_3 to %scan3A_5 step %scan3A_6  : i32 {
      %mul3A_22 = arith.constant 16 : i32
      %mul3A_23 = arith.muli %mul3A_22, %scan3A_21 : i32
      %add3A_24 = arith.addi %mul3A_2, %mul3A_23 : i32
      "tpu.region"() ({
        %run_scoped3A = tpu.sem_alloc : memref<!tpu.dma_semaphore, #tpu.memory_space<semaphore_mem>>
        %dma_start3A = arith.constant 0 : i32
        %dma_start3A_25 = tpu.memref_slice %arg10[%add3A_24, %dma_start3A] : memref<10240x16xf32, #tpu.memory_space<vmem_shared>> -> memref<16x16xf32, #tpu.memory_space<vmem_shared>>
        %dma_start3A_26 = arith.constant 0 : i32
        %dma_start3A_27 = tpu.memref_slice %arg10[%add3A_24, %dma_start3A_26] : memref<10240x16xf32, #tpu.memory_space<vmem_shared>> -> memref<16x16xf32, #tpu.memory_space<vmem_shared>>
        tpu.enqueue_dma source(%arg8 : memref<16x16xf32, #tpu.memory_space<vmem>>) target(%dma_start3A_27 : memref<16x16xf32, #tpu.memory_space<vmem_shared>>) target_semaphore(%run_scoped3A : memref<!tpu.dma_semaphore, #tpu.memory_space<semaphore_mem>>)
        %dma_wait3A = arith.constant 0 : i32
        %dma_wait3A_28 = tpu.memref_slice %arg10[%add3A_24, %dma_wait3A] : memref<10240x16xf32, #tpu.memory_space<vmem_shared>> -> memref<16x16xf32, #tpu.memory_space<vmem_shared>>
        %dma_wait3A_29 = arith.constant 0 : i32
        %dma_wait3A_30 = tpu.memref_slice %arg10[%add3A_24, %dma_wait3A_29] : memref<10240x16xf32, #tpu.memory_space<vmem_shared>> -> memref<16x16xf32, #tpu.memory_space<vmem_shared>>
        tpu.wait_dma2 semaphore(%run_scoped3A : memref<!tpu.dma_semaphore, #tpu.memory_space<semaphore_mem>>) src(%arg8 : memref<16x16xf32, #tpu.memory_space<vmem>>) dst(%dma_wait3A_30 : memref<16x16xf32, #tpu.memory_space<vmem_shared>>)
        tpu.yield
      }) : () -> ()
    }
    %scan3A_7 = arith.constant 40 : i32
    "tpu.region"() ({
      %run_scoped3A = tpu.sem_alloc : memref<!tpu.dma_semaphore, #tpu.memory_space<semaphore_mem>>
      %dma_start3A = arith.constant 0 : i32
      %dma_start3A_21 = arith.constant 0 : i32
      %dma_start3A_22 = tpu.memref_slice %arg2[%add3A, %dma_start3A, %dma_start3A_21] : memref<32x79x128xi32, #tpu.memory_space<hbm>> -> memref<1x79x128xi32, #tpu.memory_space<hbm>>
      %dma_start3A_23 = tpu.memref_squeeze %dma_start3A_22 : memref<1x79x128xi32, #tpu.memory_space<hbm>> -> memref<79x128xi32, #tpu.memory_space<hbm>>
      %dma_start3A_24 = arith.constant 0 : i32
      %dma_start3A_25 = arith.constant 0 : i32
      %dma_start3A_26 = tpu.memref_slice %arg2[%add3A, %dma_start3A_24, %dma_start3A_25] : memref<32x79x128xi32, #tpu.memory_space<hbm>> -> memref<1x79x128xi32, #tpu.memory_space<hbm>>
      %dma_start3A_27 = tpu.memref_squeeze %dma_start3A_26 : memref<1x79x128xi32, #tpu.memory_space<hbm>> -> memref<79x128xi32, #tpu.memory_space<hbm>>
      tpu.enqueue_dma source(%dma_start3A_27 : memref<79x128xi32, #tpu.memory_space<hbm>>) target(%arg6 : memref<79x128xi32, #tpu.memory_space<vmem>>) target_semaphore(%run_scoped3A : memref<!tpu.dma_semaphore, #tpu.memory_space<semaphore_mem>>)
      %dma_wait3A = arith.constant 0 : i32
      %dma_wait3A_28 = arith.constant 0 : i32
      %dma_wait3A_29 = tpu.memref_slice %arg2[%add3A, %dma_wait3A, %dma_wait3A_28] : memref<32x79x128xi32, #tpu.memory_space<hbm>> -> memref<1x79x128xi32, #tpu.memory_space<hbm>>
      %dma_wait3A_30 = tpu.memref_squeeze %dma_wait3A_29 : memref<1x79x128xi32, #tpu.memory_space<hbm>> -> memref<79x128xi32, #tpu.memory_space<hbm>>
      %dma_wait3A_31 = arith.constant 0 : i32
      %dma_wait3A_32 = arith.constant 0 : i32
      %dma_wait3A_33 = tpu.memref_slice %arg2[%add3A, %dma_wait3A_31, %dma_wait3A_32] : memref<32x79x128xi32, #tpu.memory_space<hbm>> -> memref<1x79x128xi32, #tpu.memory_space<hbm>>
      %dma_wait3A_34 = tpu.memref_squeeze %dma_wait3A_33 : memref<1x79x128xi32, #tpu.memory_space<hbm>> -> memref<79x128xi32, #tpu.memory_space<hbm>>
      tpu.wait_dma2 semaphore(%run_scoped3A : memref<!tpu.dma_semaphore, #tpu.memory_space<semaphore_mem>>) src(%dma_wait3A_34 : memref<79x128xi32, #tpu.memory_space<hbm>>) dst(%arg6 : memref<79x128xi32, #tpu.memory_space<vmem>>)
      tpu.yield
    }) : () -> ()
    %barrier3A = arith.constant 0 : index
    tpu.barrier barrier_id(%barrier3A)
    %scan3A_8 = arith.constant 0 : i32
    %scan3A_9 = arith.constant 0 : i32
    %scan3A_10 = arith.constant 79 : i32
    %scan3A_11 = arith.addi %scan3A_9, %scan3A_10 : i32
    %scan3A_12 = arith.constant 1 : i32
    scf.for %scan3A_21 = %scan3A_9 to %scan3A_11 step %scan3A_12  : i32 {
      "tpu.region"() ({
        %run_scoped3A = tpu.sem_alloc : memref<!tpu.dma_semaphore, #tpu.memory_space<semaphore_mem>>
        %dma_start3A = arith.constant 0 : i32
        %dma_start3A_22 = tpu.memref_slice %arg6[%scan3A_21, %dma_start3A] : memref<79x128xi32, #tpu.memory_space<vmem>> -> memref<1x128xi32, #tpu.memory_space<vmem>>
        %dma_start3A_23 = tpu.memref_squeeze %dma_start3A_22 : memref<1x128xi32, #tpu.memory_space<vmem>> -> memref<128xi32, #tpu.memory_space<vmem>>
        %dma_start3A_24 = arith.constant 0 : i32
        %dma_start3A_25 = arith.constant 0 : i32
        %dma_start3A_26 = tpu.memref_slice %arg10[%dma_start3A_24, %dma_start3A_25] : memref<10240x16xf32, #tpu.memory_space<vmem_shared>> -> memref<10240x16xf32, #tpu.memory_space<vmem_shared>>
        tpu.enqueue_indirect_dma source(%arg7 : memref<128x16xf32, #tpu.memory_space<vmem>>) target(%dma_start3A_26 : memref<10240x16xf32, #tpu.memory_space<vmem_shared>>) offsets(%dma_start3A_23 : memref<128xi32, #tpu.memory_space<vmem>>) semaphore(%run_scoped3A : memref<!tpu.dma_semaphore, #tpu.memory_space<semaphore_mem>>) {add = true}
        %dma_wait3A = arith.constant 0 : i32
        %dma_wait3A_27 = tpu.memref_slice %arg6[%scan3A_21, %dma_wait3A] : memref<79x128xi32, #tpu.memory_space<vmem>> -> memref<1x128xi32, #tpu.memory_space<vmem>>
        %dma_wait3A_28 = tpu.memref_squeeze %dma_wait3A_27 : memref<1x128xi32, #tpu.memory_space<vmem>> -> memref<128xi32, #tpu.memory_space<vmem>>
        %dma_wait3A_29 = arith.constant 0 : i32
        %dma_wait3A_30 = arith.constant 0 : i32
        %dma_wait3A_31 = tpu.memref_slice %arg10[%dma_wait3A_29, %dma_wait3A_30] : memref<10240x16xf32, #tpu.memory_space<vmem_shared>> -> memref<10240x16xf32, #tpu.memory_space<vmem_shared>>
        tpu.wait_indirect_dma semaphore(%run_scoped3A : memref<!tpu.dma_semaphore, #tpu.memory_space<semaphore_mem>>) src(%arg7 : memref<128x16xf32, #tpu.memory_space<vmem>>) dst(%dma_wait3A_31 : memref<10240x16xf32, #tpu.memory_space<vmem_shared>>)
        tpu.yield
      }) : () -> ()
    }
    %scan3A_13 = arith.constant 79 : i32
    %barrier3A_14 = arith.constant 0 : index
    tpu.barrier barrier_id(%barrier3A_14)
    %scan3A_15 = arith.constant 0 : i32
    %scan3A_16 = arith.constant 0 : i32
    %scan3A_17 = arith.constant 4 : i32
    %scan3A_18 = arith.addi %scan3A_16, %scan3A_17 : i32
    %scan3A_19 = arith.constant 1 : i32
    scf.for %scan3A_21 = %scan3A_16 to %scan3A_18 step %scan3A_19  : i32 {
      %mul3A_22 = arith.constant 160 : i32
      %mul3A_23 = arith.muli %mul3A_22, %scan3A_21 : i32
      %add3A_24 = arith.addi %mul3A_2, %mul3A_23 : i32
      "tpu.region"() ({
        %run_scoped3A = tpu.sem_alloc : memref<!tpu.dma_semaphore, #tpu.memory_space<semaphore_mem>>
        %dma_start3A = arith.constant 0 : i32
        %dma_start3A_25 = tpu.memref_slice %arg10[%add3A_24, %dma_start3A] : memref<10240x16xf32, #tpu.memory_space<vmem_shared>> -> memref<160x16xf32, #tpu.memory_space<vmem_shared>>
        %dma_start3A_26 = arith.constant 0 : i32
        %dma_start3A_27 = tpu.memref_slice %arg10[%add3A_24, %dma_start3A_26] : memref<10240x16xf32, #tpu.memory_space<vmem_shared>> -> memref<160x16xf32, #tpu.memory_space<vmem_shared>>
        tpu.enqueue_dma source(%dma_start3A_27 : memref<160x16xf32, #tpu.memory_space<vmem_shared>>) target(%arg9 : memref<160x16xf32, #tpu.memory_space<vmem>>) target_semaphore(%run_scoped3A : memref<!tpu.dma_semaphore, #tpu.memory_space<semaphore_mem>>)
        %dma_wait3A = arith.constant 0 : i32
        %dma_wait3A_28 = tpu.memref_slice %arg10[%add3A_24, %dma_wait3A] : memref<10240x16xf32, #tpu.memory_space<vmem_shared>> -> memref<160x16xf32, #tpu.memory_space<vmem_shared>>
        %dma_wait3A_29 = arith.constant 0 : i32
        %dma_wait3A_30 = tpu.memref_slice %arg10[%add3A_24, %dma_wait3A_29] : memref<10240x16xf32, #tpu.memory_space<vmem_shared>> -> memref<160x16xf32, #tpu.memory_space<vmem_shared>>
        tpu.wait_dma2 semaphore(%run_scoped3A : memref<!tpu.dma_semaphore, #tpu.memory_space<semaphore_mem>>) src(%dma_wait3A_30 : memref<160x16xf32, #tpu.memory_space<vmem_shared>>) dst(%arg9 : memref<160x16xf32, #tpu.memory_space<vmem>>)
        tpu.yield
      }) : () -> ()
      "tpu.region"() ({
        %run_scoped3A = tpu.sem_alloc : memref<!tpu.dma_semaphore, #tpu.memory_space<semaphore_mem>>
        %dma_start3A = arith.constant 0 : i32
        %dma_start3A_25 = tpu.memref_slice %arg5[%arg0, %add3A_24, %dma_start3A] : memref<2x10240x16xf32, #tpu.memory_space<hbm>> -> memref<1x160x16xf32, #tpu.memory_space<hbm>>
        %dma_start3A_26 = tpu.memref_squeeze %dma_start3A_25 : memref<1x160x16xf32, #tpu.memory_space<hbm>> -> memref<160x16xf32, #tpu.memory_space<hbm>>
        %dma_start3A_27 = arith.constant 0 : i32
        %dma_start3A_28 = tpu.memref_slice %arg5[%arg0, %add3A_24, %dma_start3A_27] : memref<2x10240x16xf32, #tpu.memory_space<hbm>> -> memref<1x160x16xf32, #tpu.memory_space<hbm>>
        %dma_start3A_29 = tpu.memref_squeeze %dma_start3A_28 : memref<1x160x16xf32, #tpu.memory_space<hbm>> -> memref<160x16xf32, #tpu.memory_space<hbm>>
        tpu.enqueue_dma source(%arg9 : memref<160x16xf32, #tpu.memory_space<vmem>>) target(%dma_start3A_29 : memref<160x16xf32, #tpu.memory_space<hbm>>) target_semaphore(%run_scoped3A : memref<!tpu.dma_semaphore, #tpu.memory_space<semaphore_mem>>)
        %dma_wait3A = arith.constant 0 : i32
        %dma_wait3A_30 = tpu.memref_slice %arg5[%arg0, %add3A_24, %dma_wait3A] : memref<2x10240x16xf32, #tpu.memory_space<hbm>> -> memref<1x160x16xf32, #tpu.memory_space<hbm>>
        %dma_wait3A_31 = tpu.memref_squeeze %dma_wait3A_30 : memref<1x160x16xf32, #tpu.memory_space<hbm>> -> memref<160x16xf32, #tpu.memory_space<hbm>>
        %dma_wait3A_32 = arith.constant 0 : i32
        %dma_wait3A_33 = tpu.memref_slice %arg5[%arg0, %add3A_24, %dma_wait3A_32] : memref<2x10240x16xf32, #tpu.memory_space<hbm>> -> memref<1x160x16xf32, #tpu.memory_space<hbm>>
        %dma_wait3A_34 = tpu.memref_squeeze %dma_wait3A_33 : memref<1x160x16xf32, #tpu.memory_space<hbm>> -> memref<160x16xf32, #tpu.memory_space<hbm>>
        tpu.wait_dma2 semaphore(%run_scoped3A : memref<!tpu.dma_semaphore, #tpu.memory_space<semaphore_mem>>) src(%arg9 : memref<160x16xf32, #tpu.memory_space<vmem>>) dst(%dma_wait3A_34 : memref<160x16xf32, #tpu.memory_space<hbm>>)
        tpu.yield
      }) : () -> ()
    }
    %scan3A_20 = arith.constant 4 : i32
    return
  }
}

module attributes {stable_mosaic.version = 14 : i64} {
  func.func @_mm_body(%arg0: i32, %arg1: memref<2048x128xf32, #tpu.memory_space<vmem>>, %arg2: memref<128x128xf32, #tpu.memory_space<vmem>>, %arg3: memref<2048x128xf32, #tpu.memory_space<vmem>>) attributes {dimension_semantics = [#tpu.dimension_semantics<arbitrary>], iteration_bounds = array<i64: 5>, scalar_prefetch = 0 : i64, scratch_operands = 0 : i64, tpu.core_type = #tpu.core_type<tc>, window_params = [{transform_indices = @transform_0, window_bounds = array<i64: 2048, 128>}, {pipeline_mode = #tpu.pipeline_mode<synchronous>, transform_indices = @transform_1, window_bounds = array<i64: 128, 128>}, {transform_indices = @transform_2, window_bounds = array<i64: 2048, 128>}]} {
    %get3A = arith.constant 0 : index
    %get3A_0 = arith.constant 0 : index
    %get3A_1 = vector.load %arg1[%get3A, %get3A_0] : memref<2048x128xf32, #tpu.memory_space<vmem>>, vector<2048x128xf32>
    %get3A_2 = arith.constant 0 : index
    %get3A_3 = arith.constant 0 : index
    %get3A_4 = vector.load %arg2[%get3A_2, %get3A_3] : memref<128x128xf32, #tpu.memory_space<vmem>>, vector<128x128xf32>
    %dot_general3A = arith.constant dense<0.000000e+00> : vector<2048x128xf32>
    %dot_general3A_5 = tpu.matmul %get3A_1, %get3A_4, %dot_general3A {dimension_numbers = #tpu.dot_dimension_numbers<[1], [0], [0], [1], [0, 0, 1, 1], [], []>, transpose_lhs_hint = false} : vector<2048x128xf32>, vector<128x128xf32>, vector<2048x128xf32> -> vector<2048x128xf32>
    %swap3A = arith.constant 0 : index
    %swap3A_6 = arith.constant 0 : index
    %swap3A_7 = vector.load %arg3[%swap3A, %swap3A_6] : memref<2048x128xf32, #tpu.memory_space<vmem>>, vector<2048x128xf32>
    tpu.vector_store %arg3[%swap3A, %swap3A_6], %dot_general3A_5 {strides = array<i32>} : memref<2048x128xf32, #tpu.memory_space<vmem>>, vector<2048x128xf32>,
    return
  }
  func.func @transform_0(%arg0: i32) -> (i32, i32) {
    %c0_i32 = arith.constant 0 : i32
    %c0_i32_0 = arith.constant 0 : i32
    return %arg0, %c0_i32 : i32, i32
  }
  func.func @transform_1(%arg0: i32) -> (i32, i32) {
    %c0_i32 = arith.constant 0 : i32
    %c0_i32_0 = arith.constant 0 : i32
    %c0_i32_1 = arith.constant 0 : i32
    return %c0_i32, %c0_i32_0 : i32, i32
  }
  func.func @transform_2(%arg0: i32) -> (i32, i32) {
    %c0_i32 = arith.constant 0 : i32
    %c0_i32_0 = arith.constant 0 : i32
    return %arg0, %c0_i32 : i32, i32
  }
}

module attributes {stable_mosaic.version = 14 : i64} {
  func.func @_scale_body(%arg0: i32, %arg1: memref<2x2048x16xf32, #tpu.memory_space<vmem>>, %arg2: memref<2048x128xf32, #tpu.memory_space<vmem>>, %arg3: memref<2048x128xf32, #tpu.memory_space<vmem>>, %arg4: memref<2048x128xf32, #tpu.memory_space<vmem>>) attributes {dimension_semantics = [#tpu.dimension_semantics<arbitrary>], iteration_bounds = array<i64: 5>, scalar_prefetch = 0 : i64, scratch_operands = 0 : i64, tpu.core_type = #tpu.core_type<tc>, window_params = [{transform_indices = @transform_0, window_bounds = array<i64: 2, 2048, 16>}, {transform_indices = @transform_1, window_bounds = array<i64: 2048, 128>}, {transform_indices = @transform_2, window_bounds = array<i64: 2048, 128>}, {transform_indices = @transform_3, window_bounds = array<i64: 2048, 128>}]} {
    %get3A = arith.constant 0 : index
    %get3A_0 = arith.constant 0 : index
    %get3A_1 = arith.constant 0 : index
    %get3A_2 = vector.load %arg1[%get3A, %get3A_0, %get3A_1] : memref<2x2048x16xf32, #tpu.memory_space<vmem>>, vector<1x2048x16xf32>
    %get3A_3 = vector.shape_cast %get3A_2 : vector<1x2048x16xf32> to vector<2048x16xf32>
    %get3A_4 = arith.constant 1 : index
    %get3A_5 = arith.constant 0 : index
    %get3A_6 = arith.constant 0 : index
    %get3A_7 = vector.load %arg1[%get3A_4, %get3A_5, %get3A_6] : memref<2x2048x16xf32, #tpu.memory_space<vmem>>, vector<1x2048x16xf32>
    %get3A_8 = vector.shape_cast %get3A_7 : vector<1x2048x16xf32> to vector<2048x16xf32>
    %add3A = arith.addf %get3A_3, %get3A_8 : vector<2048x16xf32>
    %add3A_9 = arith.constant 1.000000e+00 : f32
    %add3A_10 = vector.broadcast %add3A_9 : f32 to vector<2048x16xf32>
    %add3A_11 = arith.addf %add3A, %add3A_10 : vector<2048x16xf32>
    %rsqrt3A = math.rsqrt %add3A_11 : vector<2048x16xf32>
    %slice3A = vector.extract_strided_slice %rsqrt3A {offsets = [0, 0], sizes = [2048, 1], strides = [1, 1]} : vector<2048x16xf32> to vector<2048x1xf32>
    %broadcast_in_dim3A = arith.constant 1.000000e+00 : f32
    %broadcast_in_dim3A_12 = vector.broadcast %broadcast_in_dim3A : f32 to vector<1x128xf32>
    %mul3A = vector.broadcast %slice3A : vector<2048x1xf32> to vector<2048x128xf32>
    %mul3A_13 = vector.broadcast %broadcast_in_dim3A_12 : vector<1x128xf32> to vector<2048x128xf32>
    %mul3A_14 = arith.mulf %mul3A, %mul3A_13 : vector<2048x128xf32>
    %swap3A = arith.constant 0 : index
    %swap3A_15 = arith.constant 0 : index
    %swap3A_16 = vector.load %arg3[%swap3A, %swap3A_15] : memref<2048x128xf32, #tpu.memory_space<vmem>>, vector<2048x128xf32>
    tpu.vector_store %arg3[%swap3A, %swap3A_15], %mul3A_14 {strides = array<i32>} : memref<2048x128xf32, #tpu.memory_space<vmem>>, vector<2048x128xf32>,
    %get3A_17 = arith.constant 0 : index
    %get3A_18 = arith.constant 0 : index
    %get3A_19 = vector.load %arg2[%get3A_17, %get3A_18] : memref<2048x128xf32, #tpu.memory_space<vmem>>, vector<2048x128xf32>
    %mul3A_20 = arith.mulf %get3A_19, %mul3A_14 : vector<2048x128xf32>
    %swap3A_21 = arith.constant 0 : index
    %swap3A_22 = arith.constant 0 : index
    %swap3A_23 = vector.load %arg4[%swap3A_21, %swap3A_22] : memref<2048x128xf32, #tpu.memory_space<vmem>>, vector<2048x128xf32>
    tpu.vector_store %arg4[%swap3A_21, %swap3A_22], %mul3A_20 {strides = array<i32>} : memref<2048x128xf32, #tpu.memory_space<vmem>>, vector<2048x128xf32>,
    return
  }
  func.func @transform_0(%arg0: i32) -> (i32, i32, i32) {
    %c0_i32 = arith.constant 0 : i32
    %c0_i32_0 = arith.constant 0 : i32
    %c0_i32_1 = arith.constant 0 : i32
    return %c0_i32, %arg0, %c0_i32_0 : i32, i32, i32
  }
  func.func @transform_1(%arg0: i32) -> (i32, i32) {
    %c0_i32 = arith.constant 0 : i32
    %c0_i32_0 = arith.constant 0 : i32
    return %arg0, %c0_i32 : i32, i32
  }
  func.func @transform_2(%arg0: i32) -> (i32, i32) {
    %c0_i32 = arith.constant 0 : i32
    %c0_i32_0 = arith.constant 0 : i32
    return %arg0, %c0_i32 : i32, i32
  }
  func.func @transform_3(%arg0: i32) -> (i32, i32) {
    %c0_i32 = arith.constant 0 : i32
    %c0_i32_0 = arith.constant 0 : i32
    return %arg0, %c0_i32 : i32, i32
  }
}

module attributes {stable_mosaic.version = 14 : i64} {
  func.func @_mm2_body(%arg0: i32, %arg1: memref<2048x128xf32, #tpu.memory_space<vmem>>, %arg2: memref<2048x128xf32, #tpu.memory_space<vmem>>, %arg3: memref<2048x128xf32, #tpu.memory_space<vmem>>, %arg4: memref<2048x128xf32, #tpu.memory_space<vmem>>, %arg5: memref<1x128xf32, #tpu.memory_space<vmem>>, %arg6: memref<128x128xf32, #tpu.memory_space<vmem>>, %arg7: memref<2048x128xf32, #tpu.memory_space<vmem>>) attributes {dimension_semantics = [#tpu.dimension_semantics<arbitrary>], iteration_bounds = array<i64: 5>, scalar_prefetch = 0 : i64, scratch_operands = 0 : i64, tpu.core_type = #tpu.core_type<tc>, window_params = [{transform_indices = @transform_0, window_bounds = array<i64: 2048, 128>}, {transform_indices = @transform_1, window_bounds = array<i64: 2048, 128>}, {transform_indices = @transform_2, window_bounds = array<i64: 2048, 128>}, {transform_indices = @transform_3, window_bounds = array<i64: 2048, 128>}, {pipeline_mode = #tpu.pipeline_mode<synchronous>, transform_indices = @transform_4, window_bounds = array<i64: 1, 128>}, {pipeline_mode = #tpu.pipeline_mode<synchronous>, transform_indices = @transform_5, window_bounds = array<i64: 128, 128>}, {transform_indices = @transform_6, window_bounds = array<i64: 2048, 128>}]} {
    %get3A = arith.constant 0 : index
    %get3A_0 = arith.constant 0 : index
    %get3A_1 = vector.load %arg1[%get3A, %get3A_0] : memref<2048x128xf32, #tpu.memory_space<vmem>>, vector<2048x128xf32>
    %get3A_2 = arith.constant 0 : index
    %get3A_3 = arith.constant 0 : index
    %get3A_4 = vector.load %arg2[%get3A_2, %get3A_3] : memref<2048x128xf32, #tpu.memory_space<vmem>>, vector<2048x128xf32>
    %add3A = arith.addf %get3A_1, %get3A_4 : vector<2048x128xf32>
    %get3A_5 = arith.constant 0 : index
    %get3A_6 = arith.constant 0 : index
    %get3A_7 = vector.load %arg3[%get3A_5, %get3A_6] : memref<2048x128xf32, #tpu.memory_space<vmem>>, vector<2048x128xf32>
    %add3A_8 = arith.addf %add3A, %get3A_7 : vector<2048x128xf32>
    %get3A_9 = arith.constant 0 : index
    %get3A_10 = arith.constant 0 : index
    %get3A_11 = vector.load %arg4[%get3A_9, %get3A_10] : memref<2048x128xf32, #tpu.memory_space<vmem>>, vector<2048x128xf32>
    %mul3A = arith.mulf %add3A_8, %get3A_11 : vector<2048x128xf32>
    %get3A_12 = arith.constant 0 : index
    %get3A_13 = arith.constant 0 : index
    %get3A_14 = vector.load %arg5[%get3A_12, %get3A_13] : memref<1x128xf32, #tpu.memory_space<vmem>>, vector<1x128xf32>
    %add3A_15 = vector.broadcast %get3A_14 : vector<1x128xf32> to vector<2048x128xf32>
    %add3A_16 = arith.addf %mul3A, %add3A_15 : vector<2048x128xf32>
    %max3A = arith.constant 0.000000e+00 : f32
    %max3A_17 = vector.broadcast %max3A : f32 to vector<2048x128xf32>
    %max3A_18 = arith.maximumf %add3A_16, %max3A_17 : vector<2048x128xf32>
    %mul3A_19 = arith.constant 2048 : i32
    %mul3A_20 = arith.muli %arg0, %mul3A_19 : i32
    %iota3A = tpu.iota {dimensions = array<i32: 0>} : vector<2048x1xi32>
    %add3A_21 = vector.broadcast %mul3A_20 : i32 to vector<2048x1xi32>
    %add3A_22 = arith.addi %add3A_21, %iota3A : vector<2048x1xi32>
    %lt3A = arith.constant 10000 : i32
    %lt3A_23 = vector.broadcast %lt3A : i32 to vector<2048x1xi32>
    %lt3A_24 = arith.cmpi slt, %add3A_22, %lt3A_23 : vector<2048x1xi32>
    %jit3A = arith.constant 0.000000e+00 : f32
    %broadcast_in_dim3A = vector.shape_cast %lt3A_24 : vector<2048x1xi1> to vector<2048x1xi1>
    %broadcast_in_dim3A_25 = vector.broadcast %broadcast_in_dim3A : vector<2048x1xi1> to vector<2048x128xi1>
    %broadcast_in_dim3A_26 = vector.broadcast %jit3A : f32 to vector<2048x128xf32>
    %select_n3A = arith.select %broadcast_in_dim3A_25, %max3A_18, %broadcast_in_dim3A_26 : vector<2048x128xi1>, vector<2048x128xf32>
    %get3A_27 = arith.constant 0 : index
    %get3A_28 = arith.constant 0 : index
    %get3A_29 = vector.load %arg6[%get3A_27, %get3A_28] : memref<128x128xf32, #tpu.memory_space<vmem>>, vector<128x128xf32>
    %dot_general3A = arith.constant dense<0.000000e+00> : vector<2048x128xf32>
    %dot_general3A_30 = tpu.matmul %select_n3A, %get3A_29, %dot_general3A {dimension_numbers = #tpu.dot_dimension_numbers<[1], [0], [0], [1], [0, 0, 1, 1], [], []>, transpose_lhs_hint = false} : vector<2048x128xf32>, vector<128x128xf32>, vector<2048x128xf32> -> vector<2048x128xf32>
    %get3A_31 = arith.constant 0 : index
    %get3A_32 = arith.constant 0 : index
    %get3A_33 = vector.load %arg4[%get3A_31, %get3A_32] : memref<2048x128xf32, #tpu.memory_space<vmem>>, vector<2048x128xf32>
    %mul3A_34 = arith.mulf %dot_general3A_30, %get3A_33 : vector<2048x128xf32>
    %swap3A = arith.constant 0 : index
    %swap3A_35 = arith.constant 0 : index
    %swap3A_36 = vector.load %arg7[%swap3A, %swap3A_35] : memref<2048x128xf32, #tpu.memory_space<vmem>>, vector<2048x128xf32>
    tpu.vector_store %arg7[%swap3A, %swap3A_35], %mul3A_34 {strides = array<i32>} : memref<2048x128xf32, #tpu.memory_space<vmem>>, vector<2048x128xf32>,
    return
  }
  func.func @transform_0(%arg0: i32) -> (i32, i32) {
    %c0_i32 = arith.constant 0 : i32
    %c0_i32_0 = arith.constant 0 : i32
    return %arg0, %c0_i32 : i32, i32
  }
  func.func @transform_1(%arg0: i32) -> (i32, i32) {
    %c0_i32 = arith.constant 0 : i32
    %c0_i32_0 = arith.constant 0 : i32
    return %arg0, %c0_i32 : i32, i32
  }
  func.func @transform_2(%arg0: i32) -> (i32, i32) {
    %c0_i32 = arith.constant 0 : i32
    %c0_i32_0 = arith.constant 0 : i32
    return %arg0, %c0_i32 : i32, i32
  }
  func.func @transform_3(%arg0: i32) -> (i32, i32) {
    %c0_i32 = arith.constant 0 : i32
    %c0_i32_0 = arith.constant 0 : i32
    return %arg0, %c0_i32 : i32, i32
  }
  func.func @transform_4(%arg0: i32) -> (i32, i32) {
    %c0_i32 = arith.constant 0 : i32
    %c0_i32_0 = arith.constant 0 : i32
    %c0_i32_1 = arith.constant 0 : i32
    return %c0_i32, %c0_i32_0 : i32, i32
  }
  func.func @transform_5(%arg0: i32) -> (i32, i32) {
    %c0_i32 = arith.constant 0 : i32
    %c0_i32_0 = arith.constant 0 : i32
    %c0_i32_1 = arith.constant 0 : i32
    return %c0_i32, %c0_i32_0 : i32, i32
  }
  func.func @transform_6(%arg0: i32) -> (i32, i32) {
    %c0_i32 = arith.constant 0 : i32
    %c0_i32_0 = arith.constant 0 : i32
    return %arg0, %c0_i32 : i32, i32
  }
}

module attributes {stable_mosaic.version = 14 : i64} {
  func.func @_mm3_body(%arg0: i32, %arg1: memref<2000x128xf32, #tpu.memory_space<vmem>>, %arg2: memref<2000x128xf32, #tpu.memory_space<vmem>>, %arg3: memref<2000x128xf32, #tpu.memory_space<vmem>>, %arg4: memref<2000x128xf32, #tpu.memory_space<vmem>>, %arg5: memref<1x64xf32, #tpu.memory_space<vmem>>, %arg6: memref<2000x64xf32, #tpu.memory_space<vmem>>) attributes {dimension_semantics = [#tpu.dimension_semantics<arbitrary>], iteration_bounds = array<i64: 5>, scalar_prefetch = 0 : i64, scratch_operands = 0 : i64, tpu.core_type = #tpu.core_type<tc>, window_params = [{transform_indices = @transform_0, window_bounds = array<i64: 2000, 128>}, {transform_indices = @transform_1, window_bounds = array<i64: 2000, 128>}, {transform_indices = @transform_2, window_bounds = array<i64: 2000, 128>}, {transform_indices = @transform_3, window_bounds = array<i64: 2000, 128>}, {pipeline_mode = #tpu.pipeline_mode<synchronous>, transform_indices = @transform_4, window_bounds = array<i64: 1, 64>}, {transform_indices = @transform_5, window_bounds = array<i64: 2000, 64>}]} {
    %get3A = arith.constant 0 : index
    %get3A_0 = arith.constant 0 : index
    %get3A_1 = vector.load %arg1[%get3A, %get3A_0] : memref<2000x128xf32, #tpu.memory_space<vmem>>, vector<2000x128xf32>
    %get3A_2 = arith.constant 0 : index
    %get3A_3 = arith.constant 0 : index
    %get3A_4 = vector.load %arg2[%get3A_2, %get3A_3] : memref<2000x128xf32, #tpu.memory_space<vmem>>, vector<2000x128xf32>
    %add3A = arith.addf %get3A_1, %get3A_4 : vector<2000x128xf32>
    %get3A_5 = arith.constant 0 : index
    %get3A_6 = arith.constant 0 : index
    %get3A_7 = vector.load %arg3[%get3A_5, %get3A_6] : memref<2000x128xf32, #tpu.memory_space<vmem>>, vector<2000x128xf32>
    %add3A_8 = arith.addf %add3A, %get3A_7 : vector<2000x128xf32>
    %get3A_9 = arith.constant 0 : index
    %get3A_10 = arith.constant 0 : index
    %get3A_11 = vector.load %arg4[%get3A_9, %get3A_10] : memref<2000x128xf32, #tpu.memory_space<vmem>>, vector<2000x128xf32>
    %mul3A = arith.mulf %add3A_8, %get3A_11 : vector<2000x128xf32>
    %slice3A = vector.extract_strided_slice %mul3A {offsets = [0, 0], sizes = [2000, 64], strides = [1, 1]} : vector<2000x128xf32> to vector<2000x64xf32>
    %get3A_12 = arith.constant 0 : index
    %get3A_13 = arith.constant 0 : index
    %get3A_14 = vector.load %arg5[%get3A_12, %get3A_13] : memref<1x64xf32, #tpu.memory_space<vmem>>, vector<1x64xf32>
    %add3A_15 = vector.broadcast %get3A_14 : vector<1x64xf32> to vector<2000x64xf32>
    %add3A_16 = arith.addf %slice3A, %add3A_15 : vector<2000x64xf32>
    %swap3A = arith.constant 0 : index
    %swap3A_17 = arith.constant 0 : index
    %swap3A_18 = vector.load %arg6[%swap3A, %swap3A_17] : memref<2000x64xf32, #tpu.memory_space<vmem>>, vector<2000x64xf32>
    tpu.vector_store %arg6[%swap3A, %swap3A_17], %add3A_16 {strides = array<i32>} : memref<2000x64xf32, #tpu.memory_space<vmem>>, vector<2000x64xf32>,
    return
  }
  func.func @transform_0(%arg0: i32) -> (i32, i32) {
    %c0_i32 = arith.constant 0 : i32
    %c0_i32_0 = arith.constant 0 : i32
    return %arg0, %c0_i32 : i32, i32
  }
  func.func @transform_1(%arg0: i32) -> (i32, i32) {
    %c0_i32 = arith.constant 0 : i32
    %c0_i32_0 = arith.constant 0 : i32
    return %arg0, %c0_i32 : i32, i32
  }
  func.func @transform_2(%arg0: i32) -> (i32, i32) {
    %c0_i32 = arith.constant 0 : i32
    %c0_i32_0 = arith.constant 0 : i32
    return %arg0, %c0_i32 : i32, i32
  }
  func.func @transform_3(%arg0: i32) -> (i32, i32) {
    %c0_i32 = arith.constant 0 : i32
    %c0_i32_0 = arith.constant 0 : i32
    return %arg0, %c0_i32 : i32, i32
  }
  func.func @transform_4(%arg0: i32) -> (i32, i32) {
    %c0_i32 = arith.constant 0 : i32
    %c0_i32_0 = arith.constant 0 : i32
    %c0_i32_1 = arith.constant 0 : i32
    return %c0_i32, %c0_i32_0 : i32, i32
  }
  func.func @transform_5(%arg0: i32) -> (i32, i32) {
    %c0_i32 = arith.constant 0 : i32
    %c0_i32_0 = arith.constant 0 : i32
    return %arg0, %c0_i32 : i32, i32
  }
}

</mosaic_0001>

<sc_bundles>
// kernel: kernel.12.cloned.1.call-start
scs
__scs_entry_jumppad:
0x0: {  	(pc) =	sbr.rel $0x88, $3  }
0x1: {  	(tag) =	ssettag $0x0;
	lr =	simm.s32 $0x1  }
0x2: {  	[smem:$0x3F9B] =	sst lr;
	_ =	strace $0xD0000000  }
0x3: {  	_ = 	snop  }
0x4: {  	_ = 	snop  }
0x5: {  	_ = 	snop  }
0x6: {  	_ = 	snop  }
0x7: {  	_ = 	snop  }
__scs_overlays_trampoline_lowered:
0x8: {  	[smem:$0x3FAA] =	sst s0  }
0x9: {  	[smem:$0x3FAB] =	sst s1  }
0xa: {  	[smem:$0x3FAC] =	sst s2  }
0xb: {  	[smem:$0x3FAD] =	sst s3  }
0xc: {  	[smem:$0x3FAE] =	sst s4  }
0xd: {  	[smem:$0x3FAF] =	sst s5  }
0xe: {  	[smem:$0x3FB0] =	sst s6  }
0xf: {  	[smem:$0x3FB1] =	sst s7  }
0x10: {  	[smem:$0x3FB2] =	sst s8  }
0x11: {  	[smem:$0x3FB3] =	sst s9;
	s0 =	simm.s32 @!p0 $0x0  }
0x12: {  	s1 =	sld [smem:$0x3F99];
	s0 =	simm.s32 @p0 $0x1  }
0x13: {  	[smem:$0x3FB4] =	sst s0;
	s0 =	simm.s32 @!p1 $0x0  }
0x14: {  	s2 =	sld [smem:$0x3F98];
	s0 =	simm.s32 @p1 $0x1  }
0x15: {  	[smem:$0x3FB5] =	sst s0;
	s0 =	simm.s32 @!p2 $0x0  }
0x16: {  	s3 =	sld [smem:$0x3FDB];
	s0 =	simm.s32 @p2 $0x1  }
0x17: {  	s4 =	simm.s32 $0x1BF5;
	[smem:$0x3FB7] =	sst s0  }
0x18: {  	s0 =	sld [smem:$0x3F9A];
	_ =	swait.ge [sflag:s4], $0x0  }
0x19: {  	s7 =	sld [smem:$0x3F9B]  }
0x1a: {  	s8 =	sadd.s32 $0xFFFFE003, lr  }
0x1b: {  	s9 =	sadd.s32 $0xFFFFFEF7, lr;
	s5 =	simm.s32 $0xFFFFFFFF;
	p2 =	slt.u32 s8, $0xFFFFF086  }
0x1c: {  	p1 =	slt.u32 s9, $0xF7A;
	s5 =	simm.s32 @!p2 $0x0  }
0x1d: {  	s5 =	simm.s32 @p1 $0x1;
	p0 =	seq.s32 s7, s2  }
0x1e: {  	s7 =	smul.u32 @!p0 $0xF7A, s2;
	p2 =	seq.s32 @!p0 s5, $0x0  }
0x1f: {  	s9 =	smul.u32 $0xF7A, s1;
	s8 =	simm.s32 @!p0 $0x1BF5;
	p2 =	por !p2, p0  }
0x20: {  	[sflag:s8] =	ssyncset.s32 @!p0 $0xFFFFF086;
	s6 =	sadd.s32 @!p0 s3, s7;
	s7 =	simm.s32 @!p0 $0x108  }
0x21: {  	s3 =	sadd.s32 s3, s9;
	s6 =	sadd.s32 @!p0 $0x88, s6;
	s7 =	simm.s32 @p2 $0x1082  }
0x22: {  	[simem:s7], [sflag:s8] =	dma.local @!p0 [hbm:s6], $0xF7A  }
0x23: {  	s9 =	sor.u32 $0xD0000000, s2;
	s6 =	simm.s32 $0x108;
	_ =	swait.ge @!p0 [sflag:s8], $0x0  }
0x24: {  	s3 =	sadd.s32 $0x88, s3;
	s6 =	simm.s32 @!p1 $0x1082;
	[sflag:s4] =	ssyncset.s32 $0xFFFFF086  }
0x25: {  	[simem:s6], [sflag:s4] =	dma.local [hbm:s3], $0xF7A  }
0x26: {  	[smem:$0x3F9B] =	sst s1;
	(tag) =	ssettag s2;
	_ =	strace s9  }
0x27: {  	s1 =	sld [smem:$0x3FAB]  }
0x28: {  	s2 =	sld [smem:$0x3FAC]  }
0x29: {  	s4 =	sld [smem:$0x3FAE]  }
0x2a: {  	p0 =	seq.s32 s5, $0x0;
	s5 =	sld [smem:$0x3FAF]  }
0x2b: {  	s6 =	sld [smem:$0x3FB0]  }
0x2c: {  	s7 =	sld [smem:$0x3FB1]  }
0x2d: {  	s3 =	simm.s32 $0x108;
	s8 =	sld [smem:$0x3FB2]  }
0x2e: {  	s3 =	simm.s32 @!p0 $0x1082;
	s9 =	sld [smem:$0x3FB3]  }
0x2f: {  	lr =	sadd.s32 s0, s3;
	s0 =	sld [smem:$0x3FAA]  }
0x30: {  	s3 =	sld [smem:$0x3FAD]  }
0x31: {  	[smem:$0x3FB6] =	sst s10  }
0x32: {  	s10 =	sld [smem:$0x3FB4];
	_ =	sdelay $0x3  }
0x33: {  	p0 =	seq.s32 s10, $0x1;
	s10 =	sld [smem:$0x3FB6];
	_ =	sdelay $0x3  }
0x34: {  	[smem:$0x3FB6] =	sst s10  }
0x35: {  	s10 =	sld [smem:$0x3FB5];
	_ =	sdelay $0x3  }
0x36: {  	p1 =	seq.s32 s10, $0x1;
	s10 =	sld [smem:$0x3FB6];
	_ =	sdelay $0x3  }
0x37: {  	[smem:$0x3FB6] =	sst s10  }
0x38: {  	s10 =	sld [smem:$0x3FB7]  }
0x39: {  	_ = 	snop;
	(pc) =	sbr.ind lr, $3  }
0x3a: {  	_ = 	snop  }
0x3b: {  	_ = 	snop  }
0x3c: {  	p2 =	seq.s32 s10, $0x1;
	s10 =	sld [smem:$0x3FB6]  }
0x3d: {  	_ =	shalt  }
0x3e: {  	_ =	shalt  }
0x3f: {  	_ =	shalt  }
0x40: {  	_ =	shalt  }
0x41: {  	_ =	shalt  }
0x42: {  	_ =	shalt  }
0x43: {  	_ =	shalt  }
0x44: {  	_ =	shalt  }
0x45: {  	_ =	shalt  }
0x46: {  	_ =	shalt  }
0x47: {  	_ =	shalt  }
0x48: {  	_ =	shalt  }
0x49: {  	_ =	shalt  }
0x4a: {  	_ =	shalt  }
0x4b: {  	_ =	shalt  }
0x4c: {  	_ =	shalt  }
0x4d: {  	_ =	shalt  }
0x4e: {  	_ =	shalt  }
0x4f: {  	_ =	shalt  }
0x50: {  	_ =	shalt  }
0x51: {  	_ =	shalt  }
0x52: {  	_ =	shalt  }
0x53: {  	_ =	shalt  }
0x54: {  	_ =	shalt  }
0x55: {  	_ =	shalt  }
0x56: {  	_ =	shalt  }
0x57: {  	_ =	shalt  }
0x58: {  	_ =	shalt  }
0x59: {  	_ =	shalt  }
0x5a: {  	_ =	shalt  }
0x5b: {  	_ =	shalt  }
0x5c: {  	_ =	shalt  }
0x5d: {  	_ =	shalt  }
0x5e: {  	_ =	shalt  }
0x5f: {  	_ =	shalt  }
0x60: {  	_ =	shalt  }
0x61: {  	_ =	shalt  }
0x62: {  	_ =	shalt  }
0x63: {  	_ =	shalt  }
0x64: {  	_ =	shalt  }
0x65: {  	_ =	shalt  }
0x66: {  	_ =	shalt  }
0x67: {  	_ =	shalt  }
0x68: {  	_ =	shalt  }
0x69: {  	_ =	shalt  }
0x6a: {  	_ =	shalt  }
0x6b: {  	_ =	shalt  }
0x6c: {  	_ =	shalt  }
0x6d: {  	_ =	shalt  }
0x6e: {  	_ =	shalt  }
0x6f: {  	_ =	shalt  }
0x70: {  	_ =	shalt  }
0x71: {  	_ =	shalt  }
0x72: {  	_ =	shalt  }
0x73: {  	_ =	shalt  }
0x74: {  	_ =	shalt  }
0x75: {  	_ =	shalt  }
0x76: {  	_ =	shalt  }
0x77: {  	_ =	shalt  }
0x78: {  	_ =	shalt  }
0x79: {  	_ =	shalt  }
0x7a: {  	_ =	shalt  }
0x7b: {  	_ =	shalt  }
0x7c: {  	_ =	shalt  }
0x7d: {  	_ =	shalt  }
0x7e: {  	_ =	shalt  }
0x7f: {  	_ =	shalt  }
0x80: {  	_ =	shalt  }
0x81: {  	_ =	shalt  }
0x82: {  	_ =	shalt  }
0x83: {  	_ =	shalt  }
0x84: {  	_ =	shalt  }
0x85: {  	_ =	shalt  }
0x86: {  	_ =	shalt  }
0x87: {  	_ =	shalt  }
.Lfunc_end0:
.L_simem_size_0:
called_computation.1_lowered:
.L_overlay_start_0:
0x88: {  	s2 =	sld [smem:$0x3FD9]  }
0x89: {  	s3 =	sld [smem:$0x3FFE];
	_ =	sdelay $0x1  }
0x8a: {  	s1 =	srdreg.scid  }
0x8b: {  	s0 =	sand.u32 $0x1, s1  }
0x8c: {  	s17 =	sshll.u32 s0, $0xA;
	s2 =	sadd.s32 s3, s2  }
0x8d: {  	s2 =	sadd.s32 s2, s17  }
0x8e: {  	[smem:$0x3FC2] =	sst s2  }
0x8f: {  	_ = 	snop  }
0x90: {  	s2 =	sld [smem:$0x3FD0];
	(tm) =	ssettm $0x1  }
0x91: {  	s18 =	sld [smem:$0x3FFB];
	_ =	sdelay $0x3  }
0x92: {  	_ =	strace s18  }
0x93: {  	s3 =	sld [smem:$0x3FFC];
	_ =	sdelay $0x3  }
0x94: {  	_ =	strace s3  }
0x95: {  	s3 =	sld [smem:$0x3FFD];
	_ =	sdelay $0x3  }
0x96: {  	_ =	strace s3  }
0x97: {  	_ =	strace $0x8FFFFFFF  }
0x98: {  	s19 =	sld [smem:$0x3FDB];
	_ =	sdelay $0x1  }
0x99: {  	s4 =	simm.s32 $_scs_section_size  }
0x9a: {  	s5 =	simm.s32 $_size__tile_overlayer_lowered;
	s6 =	simm.s32 $_tile_overlayer_lowered  }
0x9b: {  	s22 =	simm.s32 $0x1BFF;
	s21 =	sshll.u32 s6, $0x1;
	s3 =	sadd.s32 s4, s19  }
0x9c: {  	s7 =	simm.s32 $0x0;
	s20 =	sshll.u32 s5, $0x1;
	s5 =	sadd.s32 s21, s3  }
0x9d: {  	[timem:s7], [sflag:s22] =	dma.local [hbm:s5], s20  }
0x9e: {  	_ =	swait.ge [sflag:s22], s20  }
0x9f: {  	s4 =	ssub.s32 $0x0, s20;
	[sflag:s22] =	ssyncset.done $0x0  }
0xa0: {  	[sflag:s22] =	ssyncadd.s32 s4;
	_ =	sdelay $0x1  }
0xa1: {  	s23 =	simm.s32 $0x1B8B  }
0xa2: {  	_ =	swait.ge [sflag:s23], $0x1  }
0xa3: {  	[sflag:s23] =	ssyncset.done $0x0  }
0xa4: {  	s25 =	simm.s32 $0x1B8E;
	s24 =	sld [smem:$0x3FFE];
	[sflag:s23] =	ssyncadd.s32 $0xFFFFFFFF  }
0xa5: {  	s26 =	simm.s32 $execute0_lowered;
	[smem:$0x3FD2] =	sst s25  }
0xa6: {  	s5 =	sshll.u32 s26, $0x1;
	_ =	strace $0x80000049;
	[dreg:$0x1] =	wrdreg $0xFFFFFFFF  }
0xa7: {  	s28 =	simm.s32 $_size_execute0_lowered;
	s3 =	sadd.s32 s3, s5;
	[dreg:$0x0] =	wrdreg $0x0  }
0xa8: {  	s5 =	sshll.u32 s28, $0x1;
	[dreg:$0x2] =	wrdreg s3  }
0xa9: {  	[dreg:$0x3] =	wrdreg s5  }
0xaa: {  	[dreg:$0x4] =	wrdreg $0xC0  }
0xab: {  	_ =	task [dreg:s7], $0x5FFFF  }
0xac: {  	[dreg:$0x1] =	wrdreg $0xFFFFFFFF  }
0xad: {  	[dreg:$0x0] =	wrdreg $0x60  }
0xae: {  	[dreg:$0x2] =	wrdreg s24  }
0xaf: {  	[dreg:$0x3] =	wrdreg s2  }
0xb0: {  	[dreg:$0x4] =	wrdreg $0x98000  }
0xb1: {  	[dreg:$0x5] =	wrdreg $0x9  }
0xb2: {  	_ =	task.clear_ibuf [dreg:s7], $0x6FFFF;
	_ =	strace $0x90000049  }
0xb3: {  	s29 =	simm.s32 $0x9;
	_ =	strace $0x8000004B  }
0xb4: {  	_ =	swait.ge [sflag:s29], $0x1  }
0xb5: {  	[sflag:s29] =	ssyncadd.s32 $0xFFFFFFFF  }
0xb6: {  	_ =	strace $0x9000004B  }
0xb7: {  	_ =	sfence  }
0xb8: {  	s30 =	sld [smem:$0x0];
	_ =	sdelay $0x2  }
0xb9: {  	s31 =	sshll.u32 s1, $0xD;
	s1 =	sshrl.u32 s1, $0x2  }
0xba: {  	s3 =	sand.u32 $0x4000, s31;
	s1 =	sadd.s32 s1, s30  }
0xbb: {  	s0 =	sor.u32 s3, s0;
	s1 =	sshll.u32 s1, $0x11  }
0xbc: {  	s0 =	sor.u32 s1, s0  }
0xbd: {  	s0 =	sadd.s32 $0x8F2B, s0  }
0xbe: {  	[sflag:s0] =	ssyncadd.remote.s32 $0x1  }
0xbf: {  	_ =	sfence.sel $0xFFFF  }
0xc0: {  	[dreg:$0x0] =	wrdreg $0xFFFFFFFF;
	(pc) =	sbr.abs _section_cstart, $3  }
0xc1: {  	[dreg:$0x1] =	wrdreg $0xFFFFFFFF  }
0xc2: {  	_ =	task.clear_ibuf [dreg:s7], $0x2FFFF;
	_ =	strace $0x9FFFFFFF  }
0xc3: {  	(tm) =	ssettm $0x7FFFFFFF  }
tec
execute0_lowered:
.L_overlay_start_1:
0x0: {  	(tag) =	ssettag $0x1  }
0x1: {  	s5 =	rddreg [dreg:$0x0]  }
0x2: {  	s8 =	rddreg [dreg:$0x1]  }
0x3: {  	s0 =	srdreg.scid;
	s2 =	rddreg [dreg:$0x2]  }
0x4: {  	s1 =	stileid.u32;
	s3 =	simm.s32 $0x0;
	s21 =	simm.s32 $0x2800  }
0x5: {  	s22 =	simm.s32 $0x80;
	s23 =	simm.s32 $0x5000;
	s24 =	simm.s32 $0x1  }
0x6: {  	s25 =	simm.s32 $0x0;
	s6 =	sand.u32 $0x1, s0;
	s0 =	rddreg [dreg:$0x3]  }
0x7: {  	[smem:$0x7FF] =	sst s3;
	s10 =	smul.u32 $0x50000, s1;
	s18 =	sadd.s32 $0x5D400, s5  }
0x8: {  	s14 =	smul.u32 $0x14000, s1;
	s4 =	sshll.u32 s6, $0x4;
	_ =	strace $0x8000004A  }
0x9: {  	s11 =	ssub.s32 $0x2, s6;
	s15 =	smul.u32 $0x140000, s6;
	s4 =	sor.u32 s1, s4  }
0xa: {  	s28 =	sshrl.u32 s11, $0x1;
	s10 =	sshrl.u32 s10, $0x2;
	s12 =	sadd.s32 $0x4000, s14  }
0xb: {  	s16 =	sadd.s32 $0x8000, s14;
	s17 =	sadd.s32 $0xC000, s14;
	s20 =	sadd.s32 $0x10000, s14  }
0xc: {  	s9 =	smul.u32 $0x500, s4;
	s4 =	sadd.s32 $0x2A00, s5;
	s11 =	ssub.s32 s11, s28  }
0xd: {  	s6 =	sadd.s32 s10, s2;
	s29 =	sadd.s32 s15, s14;
	s13 =	sadd.s32 s15, s12  }
0xe: {  	s19 =	sadd.s32 s15, s17;
	s31 =	sadd.s32 s15, s20;
	s10 =	sshrl.u32 s29, $0x3  }
0xf: {  	s13 =	sshrl.u32 s13, $0x3;
	s30 =	sshrl.u32 s19, $0x3;
	s19 =	sshrl.u32 s31, $0x3  }
0x10: {  	s7 =	sadd.s32 s9, s5;
	s5 =	sadd.s32 $0x29C00, s5;
	s8 =	sadd.s32 s8, s9  }
0x11: {  	s9 =	smax.u32 s11, $0x1;
	s10 =	sadd.s32 s18, s10;
	s11 =	sadd.s32 s12, s2  }
0x12: {  	s12 =	sadd.s32 s18, s13;
	s13 =	sadd.s32 s16, s2;
	s16 =	sadd.s32 s15, s16  }
0x13: {  	s15 =	sadd.s32 s17, s2;
	s17 =	sadd.s32 s20, s2;
	s16 =	sshrl.u32 s16, $0x3  }
0x14: {  	s20 =	simm.s32 $0x2;
	s7 =	sadd.s32 $0x53400, s7;
	s14 =	sadd.s32 s18, s16  }
0x15: {  	s16 =	sadd.s32 s18, s30;
	s18 =	sadd.s32 s18, s19;
	s19 =	simm.s32 $0x9000  }
.LBB2_1:
0x16: {  	[tilespmem:s19], [sflag:$0x2] =	stream.linear.gather [hbm4b:s5+s3], $0x800, $0x38;
	[tilespmem:$0x1D800] =	vst v63  }
0x17: {  	_ =	swait.ge [sflag:s20], $0x800  }
0x18: {  	[sflag:s20] =	ssyncset.done $0x0  }
0x19: {  	s26 =	sadd.s32 $0x0, s6;
	[sflag:s20] =	ssyncadd.s32 $0xFFFFF800  }
0x1a: {  	[spmem:s26] =	stream.linear.scatter [tilespmem:s19], [sflag:$0x2], $0x800, $0x38;
	[tilespmem:$0x1D800] =	vst v63  }
0x1b: {  	s26 =	simm.s32 $0x2000;
	_ =	swait.ge [sflag:s20], $0x800  }
.LBB2_2:
0x1c: {  	s28 =	sshra.s32 s26, $0x2;
	[sflag:s20] =	ssyncset.done $0x0;
	p0 =	sne.s32 s26, $0x4E000  }
.Ltmp0:
0x1d: {  	s28 =	sadd.s32 s28, s6;
	[sflag:s20] =	ssyncadd.s32 $0xFFFFF800;
	(pc) =	sbr.rel @p0 .LBB2_2-.Ltmp0, $3  }
0x1e: {  	[spmem:s28] =	stream.linear.scatter [tilespmem:s19], [sflag:$0x2], $0x800, $0x38;
	[tilespmem:$0x1D800] =	vst v63  }
0x1f: {  	s26 =	sadd.s32 $0x2000, s26;
	_ =	sdelay $0x1  }
0x20: {  	_ =	swait.ge [sflag:s20], $0x800  }
0x21: {  	[sflag:s20] =	ssyncset.done $0x0  }
0x22: {  	s26 =	simm.s32 $0x0;
	[sflag:s20] =	ssyncadd.s32 $0xFFFFF800  }
0x23: {  	[tilespmem:s26], [sflag:$0x2] =	stream.linear.gather [hbm4b:s7+s26], $0x2780, $0x38;
	[tilespmem:$0x1D800] =	vst v63  }
0x24: {  	_ =	swait.ge [sflag:s20], $0x2780  }
0x25: {  	[sflag:s20] =	ssyncset.done $0x0  }
0x26: {  	[sflag:s20] =	ssyncadd.s32 $0xFFFFD880  }
0x27: {  	[tilespmem:s21], [sflag:$0x2] =	stream.linear.gather [hbm4b:s8+s26], $0x2780, $0x38;
	[tilespmem:$0x1D800] =	vst v63  }
0x28: {  	_ =	swait.ge [sflag:s20], $0x2780  }
0x29: {  	[sflag:s20] =	ssyncset.done $0x0  }
0x2a: {  	[sflag:s20] =	ssyncadd.s32 $0xFFFFD880  }
0x2b: {  	s30 =	simm.s32 $0x0;
	[bflag:$0x0] =	sbarrier.arrive $0xFFFF  }
0x2c: {  	[tilespmem:s23], [sflag:$0x1] =	stream.indirect.gather [hbm4b:s4+s22], $0x80, s30, s22, $0xb8;
	[tilespmem:$0x1D800] =	vst v63  }
0x2d: {  	_ =	swait.ge [sflag:s24], $0x4000  }
0x2e: {  	[sflag:s24] =	ssyncset.done $0x0  }
0x2f: {  	s31 =	simm.s32 $0x2800;
	[sflag:s24] =	ssyncadd.s32 $0xFFFFC000  }
0x30: {  	[spmem:s2] =	stream.indirect.scatter.add.f32 [tilespmem:s23], [sflag:$0x2], $0x80, s31, s22, $0xb8;
	[tilespmem:$0x1D800] =	vst v63  }
0x31: {  	_ =	swait.ge [sflag:s20], $0x4000  }
0x32: {  	s28 =	simm.s32 $0x400;
	s26 =	simm.s32 $0x200;
	[sflag:s20] =	ssyncset.done $0x0  }
.LBB2_4:
0x33: {  	s29 =	sshra.s32 s26, $0x2  }
0x34: {  	[sflag:s20] =	ssyncadd.s32 $0xFFFFC000;
	s26 =	smov.u32 s28;
	s30 =	sadd.s32 $0x200, s28  }
0x35: {  	[tilespmem:s23], [sflag:$0x1] =	stream.indirect.gather [hbm4b:s4+s22], $0x80, s29, s22, $0xb8;
	[tilespmem:$0x1D800] =	vst v63  }
0x36: {  	p0 =	sne.s32 s28, $0x9C00;
	_ =	swait.ge [sflag:s24], $0x4000  }
.Ltmp1:
0x37: {  	[sflag:s24] =	ssyncset.done $0x0;
	(pc) =	sbr.rel @p0 .LBB2_4-.Ltmp1, $4  }
0x38: {  	s28 =	sadd.s32 $0x2800, s29;
	[sflag:s24] =	ssyncadd.s32 $0xFFFFC000  }
0x39: {  	[spmem:s2] =	stream.indirect.scatter.add.f32 [tilespmem:s23], [sflag:$0x2], $0x80, s28, s22, $0xb8;
	[tilespmem:$0x1D800] =	vst v63  }
0x3a: {  	_ =	swait.ge [sflag:s20], $0x4000  }
0x3b: {  	s28 =	smov.u32 s30;
	[sflag:s20] =	ssyncset.done $0x0  }
0x3c: {  	s26 =	sshra.s32 s26, $0x2;
	[sflag:s20] =	ssyncadd.s32 $0xFFFFC000  }
0x3d: {  	[tilespmem:s23], [sflag:$0x1] =	stream.indirect.gather [hbm4b:s4+s22], $0x80, s26, s22, $0xb8;
	[tilespmem:$0x1D800] =	vst v63  }
0x3e: {  	_ =	swait.ge [sflag:s24], $0x4000  }
0x3f: {  	[sflag:s24] =	ssyncset.done $0x0  }
0x40: {  	s26 =	sadd.s32 $0x2800, s26;
	[sflag:s24] =	ssyncadd.s32 $0xFFFFC000  }
0x41: {  	[spmem:s2] =	stream.indirect.scatter.add.f32 [tilespmem:s23], [sflag:$0x2], $0x80, s26, s22, $0xb8;
	[tilespmem:$0x1D800] =	vst v63  }
0x42: {  	_ =	swait.ge [sflag:s20], $0x4000  }
0x43: {  	[sflag:s20] =	ssyncset.done $0x0  }
0x44: {  	[sflag:s20] =	ssyncadd.s32 $0xFFFFC000  }
0x45: {  	[bflag:$0x0] =	sbarrier.arrive $0xFFFF  }
0x46: {  	[tilespmem:s23], [sflag:$0x2] =	stream.linear.gather [spmem:s6], $0x4000, $0x38;
	[tilespmem:$0x1D800] =	vst v63  }
0x47: {  	_ =	swait.ge [sflag:s20], $0x4000  }
0x48: {  	[sflag:s20] =	ssyncset.done $0x0  }
0x49: {  	[sflag:s20] =	ssyncadd.s32 $0xFFFFC000  }
0x4a: {  	[hbm4b:s10+s3] =	stream.linear.scatter [tilespmem:s23], [sflag:$0x2], $0x4000, $0x38;
	[tilespmem:$0x1D800] =	vst v63  }
0x4b: {  	_ =	swait.ge [sflag:s20], $0x4000  }
0x4c: {  	[sflag:s20] =	ssyncset.done $0x0  }
0x4d: {  	[sflag:s20] =	ssyncadd.s32 $0xFFFFC000  }
0x4e: {  	[tilespmem:s23], [sflag:$0x2] =	stream.linear.gather [spmem:s11], $0x4000, $0x38;
	[tilespmem:$0x1D800] =	vst v63  }
0x4f: {  	_ =	swait.ge [sflag:s20], $0x4000  }
0x50: {  	[sflag:s20] =	ssyncset.done $0x0  }
0x51: {  	[sflag:s20] =	ssyncadd.s32 $0xFFFFC000  }
0x52: {  	[hbm4b:s12+s3] =	stream.linear.scatter [tilespmem:s23], [sflag:$0x2], $0x4000, $0x38;
	[tilespmem:$0x1D800] =	vst v63  }
0x53: {  	_ =	swait.ge [sflag:s20], $0x4000  }
0x54: {  	[sflag:s20] =	ssyncset.done $0x0  }
0x55: {  	[sflag:s20] =	ssyncadd.s32 $0xFFFFC000  }
0x56: {  	[tilespmem:s23], [sflag:$0x2] =	stream.linear.gather [spmem:s13], $0x4000, $0x38;
	[tilespmem:$0x1D800] =	vst v63  }
0x57: {  	_ =	swait.ge [sflag:s20], $0x4000  }
0x58: {  	[sflag:s20] =	ssyncset.done $0x0  }
0x59: {  	[sflag:s20] =	ssyncadd.s32 $0xFFFFC000  }
0x5a: {  	[hbm4b:s14+s3] =	stream.linear.scatter [tilespmem:s23], [sflag:$0x2], $0x4000, $0x38;
	[tilespmem:$0x1D800] =	vst v63  }
0x5b: {  	_ =	swait.ge [sflag:s20], $0x4000  }
0x5c: {  	[sflag:s20] =	ssyncset.done $0x0  }
0x5d: {  	[sflag:s20] =	ssyncadd.s32 $0xFFFFC000  }
0x5e: {  	[tilespmem:s23], [sflag:$0x2] =	stream.linear.gather [spmem:s15], $0x4000, $0x38;
	[tilespmem:$0x1D800] =	vst v63  }
0x5f: {  	_ =	swait.ge [sflag:s20], $0x4000  }
0x60: {  	[sflag:s20] =	ssyncset.done $0x0  }
0x61: {  	[sflag:s20] =	ssyncadd.s32 $0xFFFFC000  }
0x62: {  	[hbm4b:s16+s3] =	stream.linear.scatter [tilespmem:s23], [sflag:$0x2], $0x4000, $0x38;
	[tilespmem:$0x1D800] =	vst v63  }
0x63: {  	_ =	swait.ge [sflag:s20], $0x4000  }
0x64: {  	[sflag:s20] =	ssyncset.done $0x0  }
0x65: {  	[sflag:s20] =	ssyncadd.s32 $0xFFFFC000  }
0x66: {  	[tilespmem:s23], [sflag:$0x2] =	stream.linear.gather [spmem:s17], $0x4000, $0x38;
	[tilespmem:$0x1D800] =	vst v63  }
0x67: {  	s25 =	sadd.s32 $0x1, s25;
	_ =	swait.ge [sflag:s20], $0x4000  }
0x68: {  	p0 =	sne.s32 s25, s9;
	[sflag:s20] =	ssyncset.done $0x0  }
.Ltmp2:
0x69: {  	[sflag:s20] =	ssyncadd.s32 $0xFFFFC000;
	(pc) =	sbr.rel @p0 .LBB2_1-.Ltmp2, $4  }
0x6a: {  	[hbm4b:s18+s3] =	stream.linear.scatter [tilespmem:s23], [sflag:$0x2], $0x4000, $0x38;
	[tilespmem:$0x1D800] =	vst v63  }
0x6b: {  	_ =	swait.ge [sflag:s20], $0x4000  }
0x6c: {  	[sflag:s20] =	ssyncset.done $0x0  }
0x6d: {  	[sflag:s20] =	ssyncadd.s32 $0xFFFFC000  }
0x6e: {  	_ =	sfence.sel $0x180000  }
0x6f: {  	[bflag:$0x0] =	sbarrier.arrive $0xFFFF  }
0x70: {  	p0 =	sne.s32 s1, $0x0;
	_ =	strace $0x9000004A  }
0x71: {  	s0 =	sadd.s32 @!p0 $0x100000, s0;
	[bflag:$0x2] =	sbarrier.arrive $0xFFFF  }
0x72: {  	[sflag:s0] =	ssyncadd.tile.s32 @!p0 $0x1;
	_ =	shalt  }
.Lfunc_end2:
_tile_overlayer_lowered:
.L_overlay_start_2:
0x73: {  	(tag) =	ssettag $0x2  }
0x74: {  	s0 =	rddreg [dreg:$0x0];
	s2 =	stileid.u32  }
0x75: {  	s1 =	rddreg [dreg:$0x1];
	p0 =	sne.s32 s2, $0x0  }
0x76: {  	s3 =	rddreg [dreg:$0x2];
	[bflag:$0x3] =	sbarrier.arrive $0xFFFF;
	s2 =	simm.s32 @!p0 $0x1C02  }
0x77: {  	[timem:s3], [sflag:s2] =	dma.local @!p0 [hbm:s0], s1  }
0x78: {  	s0 =	simm.s32 @!p0 $0x2  }
0x79: {  	_ =	swait.ge @!p0 [sflag:s0], s1  }
0x7a: {  	s1 =	ssub.s32 @!p0 $0x0, s1;
	[sflag:s0] =	ssyncset.done @!p0 $0x0  }
0x7b: {  	[sflag:s0] =	ssyncadd.s32 @!p0 s1  }
0x7c: {  	[bflag:$0x3] =	sbarrier.arrive $0xFFFF  }
0x7d: {  	_ =	shalt  }

// kernel: kernel.15.cloned.1.call-start
scs
__scs_entry_jumppad:
0x0: {  	(pc) =	sbr.rel $0x88, $3  }
0x1: {  	(tag) =	ssettag $0x0;
	lr =	simm.s32 $0x1  }
0x2: {  	[smem:$0x3F9B] =	sst lr;
	_ =	strace $0xD0000000  }
0x3: {  	_ = 	snop  }
0x4: {  	_ = 	snop  }
0x5: {  	_ = 	snop  }
0x6: {  	_ = 	snop  }
0x7: {  	_ = 	snop  }
__scs_overlays_trampoline_lowered:
0x8: {  	[smem:$0x3FAA] =	sst s0  }
0x9: {  	[smem:$0x3FAB] =	sst s1  }
0xa: {  	[smem:$0x3FAC] =	sst s2  }
0xb: {  	[smem:$0x3FAD] =	sst s3  }
0xc: {  	[smem:$0x3FAE] =	sst s4  }
0xd: {  	[smem:$0x3FAF] =	sst s5  }
0xe: {  	[smem:$0x3FB0] =	sst s6  }
0xf: {  	[smem:$0x3FB1] =	sst s7  }
0x10: {  	[smem:$0x3FB2] =	sst s8  }
0x11: {  	[smem:$0x3FB3] =	sst s9;
	s0 =	simm.s32 @!p0 $0x0  }
0x12: {  	s1 =	sld [smem:$0x3F99];
	s0 =	simm.s32 @p0 $0x1  }
0x13: {  	[smem:$0x3FB4] =	sst s0;
	s0 =	simm.s32 @!p1 $0x0  }
0x14: {  	s2 =	sld [smem:$0x3F98];
	s0 =	simm.s32 @p1 $0x1  }
0x15: {  	[smem:$0x3FB5] =	sst s0;
	s0 =	simm.s32 @!p2 $0x0  }
0x16: {  	s3 =	sld [smem:$0x3FDB];
	s0 =	simm.s32 @p2 $0x1  }
0x17: {  	s4 =	simm.s32 $0x1BF5;
	[smem:$0x3FB7] =	sst s0  }
0x18: {  	s0 =	sld [smem:$0x3F9A];
	_ =	swait.ge [sflag:s4], $0x0  }
0x19: {  	s7 =	sld [smem:$0x3F9B]  }
0x1a: {  	s8 =	sadd.s32 $0xFFFFE003, lr  }
0x1b: {  	s9 =	sadd.s32 $0xFFFFFEF7, lr;
	s5 =	simm.s32 $0xFFFFFFFF;
	p2 =	slt.u32 s8, $0xFFFFF086  }
0x1c: {  	p1 =	slt.u32 s9, $0xF7A;
	s5 =	simm.s32 @!p2 $0x0  }
0x1d: {  	s5 =	simm.s32 @p1 $0x1;
	p0 =	seq.s32 s7, s2  }
0x1e: {  	s7 =	smul.u32 @!p0 $0xF7A, s2;
	p2 =	seq.s32 @!p0 s5, $0x0  }
0x1f: {  	s9 =	smul.u32 $0xF7A, s1;
	s8 =	simm.s32 @!p0 $0x1BF5;
	p2 =	por !p2, p0  }
0x20: {  	[sflag:s8] =	ssyncset.s32 @!p0 $0xFFFFF086;
	s6 =	sadd.s32 @!p0 s3, s7;
	s7 =	simm.s32 @!p0 $0x108  }
0x21: {  	s3 =	sadd.s32 s3, s9;
	s6 =	sadd.s32 @!p0 $0x88, s6;
	s7 =	simm.s32 @p2 $0x1082  }
0x22: {  	[simem:s7], [sflag:s8] =	dma.local @!p0 [hbm:s6], $0xF7A  }
0x23: {  	s9 =	sor.u32 $0xD0000000, s2;
	s6 =	simm.s32 $0x108;
	_ =	swait.ge @!p0 [sflag:s8], $0x0  }
0x24: {  	s3 =	sadd.s32 $0x88, s3;
	s6 =	simm.s32 @!p1 $0x1082;
	[sflag:s4] =	ssyncset.s32 $0xFFFFF086  }
0x25: {  	[simem:s6], [sflag:s4] =	dma.local [hbm:s3], $0xF7A  }
0x26: {  	[smem:$0x3F9B] =	sst s1;
	(tag) =	ssettag s2;
	_ =	strace s9  }
0x27: {  	s1 =	sld [smem:$0x3FAB]  }
0x28: {  	s2 =	sld [smem:$0x3FAC]  }
0x29: {  	s4 =	sld [smem:$0x3FAE]  }
0x2a: {  	p0 =	seq.s32 s5, $0x0;
	s5 =	sld [smem:$0x3FAF]  }
0x2b: {  	s6 =	sld [smem:$0x3FB0]  }
0x2c: {  	s7 =	sld [smem:$0x3FB1]  }
0x2d: {  	s3 =	simm.s32 $0x108;
	s8 =	sld [smem:$0x3FB2]  }
0x2e: {  	s3 =	simm.s32 @!p0 $0x1082;
	s9 =	sld [smem:$0x3FB3]  }
0x2f: {  	lr =	sadd.s32 s0, s3;
	s0 =	sld [smem:$0x3FAA]  }
0x30: {  	s3 =	sld [smem:$0x3FAD]  }
0x31: {  	[smem:$0x3FB6] =	sst s10  }
0x32: {  	s10 =	sld [smem:$0x3FB4];
	_ =	sdelay $0x3  }
0x33: {  	p0 =	seq.s32 s10, $0x1;
	s10 =	sld [smem:$0x3FB6];
	_ =	sdelay $0x3  }
0x34: {  	[smem:$0x3FB6] =	sst s10  }
0x35: {  	s10 =	sld [smem:$0x3FB5];
	_ =	sdelay $0x3  }
0x36: {  	p1 =	seq.s32 s10, $0x1;
	s10 =	sld [smem:$0x3FB6];
	_ =	sdelay $0x3  }
0x37: {  	[smem:$0x3FB6] =	sst s10  }
0x38: {  	s10 =	sld [smem:$0x3FB7]  }
0x39: {  	_ = 	snop;
	(pc) =	sbr.ind lr, $3  }
0x3a: {  	_ = 	snop  }
0x3b: {  	_ = 	snop  }
0x3c: {  	p2 =	seq.s32 s10, $0x1;
	s10 =	sld [smem:$0x3FB6]  }
0x3d: {  	_ =	shalt  }
0x3e: {  	_ =	shalt  }
0x3f: {  	_ =	shalt  }
0x40: {  	_ =	shalt  }
0x41: {  	_ =	shalt  }
0x42: {  	_ =	shalt  }
0x43: {  	_ =	shalt  }
0x44: {  	_ =	shalt  }
0x45: {  	_ =	shalt  }
0x46: {  	_ =	shalt  }
0x47: {  	_ =	shalt  }
0x48: {  	_ =	shalt  }
0x49: {  	_ =	shalt  }
0x4a: {  	_ =	shalt  }
0x4b: {  	_ =	shalt  }
0x4c: {  	_ =	shalt  }
0x4d: {  	_ =	shalt  }
0x4e: {  	_ =	shalt  }
0x4f: {  	_ =	shalt  }
0x50: {  	_ =	shalt  }
0x51: {  	_ =	shalt  }
0x52: {  	_ =	shalt  }
0x53: {  	_ =	shalt  }
0x54: {  	_ =	shalt  }
0x55: {  	_ =	shalt  }
0x56: {  	_ =	shalt  }
0x57: {  	_ =	shalt  }
0x58: {  	_ =	shalt  }
0x59: {  	_ =	shalt  }
0x5a: {  	_ =	shalt  }
0x5b: {  	_ =	shalt  }
0x5c: {  	_ =	shalt  }
0x5d: {  	_ =	shalt  }
0x5e: {  	_ =	shalt  }
0x5f: {  	_ =	shalt  }
0x60: {  	_ =	shalt  }
0x61: {  	_ =	shalt  }
0x62: {  	_ =	shalt  }
0x63: {  	_ =	shalt  }
0x64: {  	_ =	shalt  }
0x65: {  	_ =	shalt  }
0x66: {  	_ =	shalt  }
0x67: {  	_ =	shalt  }
0x68: {  	_ =	shalt  }
0x69: {  	_ =	shalt  }
0x6a: {  	_ =	shalt  }
0x6b: {  	_ =	shalt  }
0x6c: {  	_ =	shalt  }
0x6d: {  	_ =	shalt  }
0x6e: {  	_ =	shalt  }
0x6f: {  	_ =	shalt  }
0x70: {  	_ =	shalt  }
0x71: {  	_ =	shalt  }
0x72: {  	_ =	shalt  }
0x73: {  	_ =	shalt  }
0x74: {  	_ =	shalt  }
0x75: {  	_ =	shalt  }
0x76: {  	_ =	shalt  }
0x77: {  	_ =	shalt  }
0x78: {  	_ =	shalt  }
0x79: {  	_ =	shalt  }
0x7a: {  	_ =	shalt  }
0x7b: {  	_ =	shalt  }
0x7c: {  	_ =	shalt  }
0x7d: {  	_ =	shalt  }
0x7e: {  	_ =	shalt  }
0x7f: {  	_ =	shalt  }
0x80: {  	_ =	shalt  }
0x81: {  	_ =	shalt  }
0x82: {  	_ =	shalt  }
0x83: {  	_ =	shalt  }
0x84: {  	_ =	shalt  }
0x85: {  	_ =	shalt  }
0x86: {  	_ =	shalt  }
0x87: {  	_ =	shalt  }
.Lfunc_end0:
.L_simem_size_0:
called_computation.2_lowered:
.L_overlay_start_0:
0x88: {  	s2 =	sld [smem:$0x3FD9]  }
0x89: {  	s3 =	sld [smem:$0x3FFE];
	_ =	sdelay $0x1  }
0x8a: {  	s1 =	srdreg.scid  }
0x8b: {  	s0 =	sand.u32 $0x1, s1  }
0x8c: {  	s17 =	sshll.u32 s0, $0xA;
	s2 =	sadd.s32 s3, s2  }
0x8d: {  	s2 =	sadd.s32 s2, s17  }
0x8e: {  	[smem:$0x3FC2] =	sst s2  }
0x8f: {  	_ = 	snop  }
0x90: {  	s2 =	sld [smem:$0x3FD0];
	(tm) =	ssettm $0x1  }
0x91: {  	s18 =	sld [smem:$0x3FFB];
	_ =	sdelay $0x3  }
0x92: {  	_ =	strace s18  }
0x93: {  	s3 =	sld [smem:$0x3FFC];
	_ =	sdelay $0x3  }
0x94: {  	_ =	strace s3  }
0x95: {  	s3 =	sld [smem:$0x3FFD];
	_ =	sdelay $0x3  }
0x96: {  	_ =	strace s3  }
0x97: {  	_ =	strace $0x8FFFFFFF  }
0x98: {  	s19 =	sld [smem:$0x3FDB];
	_ =	sdelay $0x1  }
0x99: {  	s4 =	simm.s32 $_scs_section_size  }
0x9a: {  	s5 =	simm.s32 $_size__tile_overlayer_lowered;
	s6 =	simm.s32 $_tile_overlayer_lowered  }
0x9b: {  	s22 =	simm.s32 $0x1BFF;
	s21 =	sshll.u32 s6, $0x1;
	s3 =	sadd.s32 s4, s19  }
0x9c: {  	s7 =	simm.s32 $0x0;
	s20 =	sshll.u32 s5, $0x1;
	s5 =	sadd.s32 s21, s3  }
0x9d: {  	[timem:s7], [sflag:s22] =	dma.local [hbm:s5], s20  }
0x9e: {  	_ =	swait.ge [sflag:s22], s20  }
0x9f: {  	s4 =	ssub.s32 $0x0, s20;
	[sflag:s22] =	ssyncset.done $0x0  }
0xa0: {  	[sflag:s22] =	ssyncadd.s32 s4;
	_ =	sdelay $0x1  }
0xa1: {  	s23 =	simm.s32 $0x1B8B  }
0xa2: {  	_ =	swait.ge [sflag:s23], $0x1  }
0xa3: {  	[sflag:s23] =	ssyncset.done $0x0  }
0xa4: {  	s25 =	simm.s32 $0x1B8E;
	s24 =	sld [smem:$0x3FFE];
	[sflag:s23] =	ssyncadd.s32 $0xFFFFFFFF  }
0xa5: {  	s26 =	simm.s32 $execute0_lowered;
	[smem:$0x3FD2] =	sst s25  }
0xa6: {  	s5 =	sshll.u32 s26, $0x1;
	_ =	strace $0x8000004C;
	[dreg:$0x1] =	wrdreg $0xFFFFFFFF  }
0xa7: {  	s28 =	simm.s32 $_size_execute0_lowered;
	s3 =	sadd.s32 s3, s5;
	[dreg:$0x0] =	wrdreg $0x0  }
0xa8: {  	s5 =	sshll.u32 s28, $0x1;
	[dreg:$0x2] =	wrdreg s3  }
0xa9: {  	[dreg:$0x3] =	wrdreg s5  }
0xaa: {  	[dreg:$0x4] =	wrdreg $0xC0  }
0xab: {  	_ =	task [dreg:s7], $0x5FFFF  }
0xac: {  	[dreg:$0x1] =	wrdreg $0xFFFFFFFF  }
0xad: {  	[dreg:$0x0] =	wrdreg $0x60  }
0xae: {  	[dreg:$0x2] =	wrdreg s24  }
0xaf: {  	[dreg:$0x3] =	wrdreg s2  }
0xb0: {  	[dreg:$0x4] =	wrdreg $0x98000  }
0xb1: {  	[dreg:$0x5] =	wrdreg $0x9  }
0xb2: {  	_ =	task.clear_ibuf [dreg:s7], $0x6FFFF;
	_ =	strace $0x9000004C  }
0xb3: {  	s29 =	simm.s32 $0x9;
	_ =	strace $0x8000004E  }
0xb4: {  	_ =	swait.ge [sflag:s29], $0x1  }
0xb5: {  	[sflag:s29] =	ssyncadd.s32 $0xFFFFFFFF  }
0xb6: {  	_ =	strace $0x9000004E  }
0xb7: {  	_ =	sfence  }
0xb8: {  	s30 =	sld [smem:$0x0];
	_ =	sdelay $0x2  }
0xb9: {  	s31 =	sshll.u32 s1, $0xD;
	s1 =	sshrl.u32 s1, $0x2  }
0xba: {  	s3 =	sand.u32 $0x4000, s31;
	s1 =	sadd.s32 s1, s30  }
0xbb: {  	s0 =	sor.u32 s3, s0;
	s1 =	sshll.u32 s1, $0x11  }
0xbc: {  	s0 =	sor.u32 s1, s0  }
0xbd: {  	s0 =	sadd.s32 $0x8F2B, s0  }
0xbe: {  	[sflag:s0] =	ssyncadd.remote.s32 $0x1  }
0xbf: {  	_ =	sfence.sel $0xFFFF  }
0xc0: {  	[dreg:$0x0] =	wrdreg $0xFFFFFFFF;
	(pc) =	sbr.abs _section_cstart, $3  }
0xc1: {  	[dreg:$0x1] =	wrdreg $0xFFFFFFFF  }
0xc2: {  	_ =	task.clear_ibuf [dreg:s7], $0x2FFFF;
	_ =	strace $0x9FFFFFFF  }
0xc3: {  	(tm) =	ssettm $0x7FFFFFFF  }
tec
execute0_lowered:
.L_overlay_start_1:
0x0: {  	(tag) =	ssettag $0x1  }
0x1: {  	s5 =	rddreg [dreg:$0x0]  }
0x2: {  	s8 =	rddreg [dreg:$0x1]  }
0x3: {  	s0 =	srdreg.scid;
	s2 =	rddreg [dreg:$0x2]  }
0x4: {  	s1 =	stileid.u32;
	s3 =	simm.s32 $0x0;
	s21 =	simm.s32 $0x2800  }
0x5: {  	s22 =	simm.s32 $0x80;
	s23 =	simm.s32 $0x5000;
	s24 =	simm.s32 $0x1  }
0x6: {  	s25 =	simm.s32 $0x0;
	s6 =	sand.u32 $0x1, s0;
	s0 =	rddreg [dreg:$0x3]  }
0x7: {  	[smem:$0x7FF] =	sst s3;
	s10 =	smul.u32 $0x50000, s1;
	s18 =	sadd.s32 $0x5D400, s5  }
0x8: {  	s14 =	smul.u32 $0x14000, s1;
	s4 =	sshll.u32 s6, $0x4;
	_ =	strace $0x8000004D  }
0x9: {  	s11 =	ssub.s32 $0x2, s6;
	s15 =	smul.u32 $0x140000, s6;
	s4 =	sor.u32 s1, s4  }
0xa: {  	s28 =	sshrl.u32 s11, $0x1;
	s10 =	sshrl.u32 s10, $0x2;
	s12 =	sadd.s32 $0x4000, s14  }
0xb: {  	s16 =	sadd.s32 $0x8000, s14;
	s17 =	sadd.s32 $0xC000, s14;
	s20 =	sadd.s32 $0x10000, s14  }
0xc: {  	s9 =	smul.u32 $0x500, s4;
	s4 =	sadd.s32 $0x2A00, s5;
	s11 =	ssub.s32 s11, s28  }
0xd: {  	s6 =	sadd.s32 s10, s2;
	s29 =	sadd.s32 s15, s14;
	s13 =	sadd.s32 s15, s12  }
0xe: {  	s19 =	sadd.s32 s15, s17;
	s31 =	sadd.s32 s15, s20;
	s10 =	sshrl.u32 s29, $0x3  }
0xf: {  	s13 =	sshrl.u32 s13, $0x3;
	s30 =	sshrl.u32 s19, $0x3;
	s19 =	sshrl.u32 s31, $0x3  }
0x10: {  	s7 =	sadd.s32 s9, s5;
	s5 =	sadd.s32 $0x29C00, s5;
	s8 =	sadd.s32 s8, s9  }
0x11: {  	s9 =	smax.u32 s11, $0x1;
	s10 =	sadd.s32 s18, s10;
	s11 =	sadd.s32 s12, s2  }
0x12: {  	s12 =	sadd.s32 s18, s13;
	s13 =	sadd.s32 s16, s2;
	s16 =	sadd.s32 s15, s16  }
0x13: {  	s15 =	sadd.s32 s17, s2;
	s17 =	sadd.s32 s20, s2;
	s16 =	sshrl.u32 s16, $0x3  }
0x14: {  	s20 =	simm.s32 $0x2;
	s7 =	sadd.s32 $0x53400, s7;
	s14 =	sadd.s32 s18, s16  }
0x15: {  	s16 =	sadd.s32 s18, s30;
	s18 =	sadd.s32 s18, s19;
	s19 =	simm.s32 $0x9000  }
.LBB2_1:
0x16: {  	[tilespmem:s19], [sflag:$0x2] =	stream.linear.gather [hbm4b:s5+s3], $0x800, $0x38;
	[tilespmem:$0x1D800] =	vst v63  }
0x17: {  	_ =	swait.ge [sflag:s20], $0x800  }
0x18: {  	[sflag:s20] =	ssyncset.done $0x0  }
0x19: {  	s26 =	sadd.s32 $0x0, s6;
	[sflag:s20] =	ssyncadd.s32 $0xFFFFF800  }
0x1a: {  	[spmem:s26] =	stream.linear.scatter [tilespmem:s19], [sflag:$0x2], $0x800, $0x38;
	[tilespmem:$0x1D800] =	vst v63  }
0x1b: {  	s26 =	simm.s32 $0x2000;
	_ =	swait.ge [sflag:s20], $0x800  }
.LBB2_2:
0x1c: {  	s28 =	sshra.s32 s26, $0x2;
	[sflag:s20] =	ssyncset.done $0x0;
	p0 =	sne.s32 s26, $0x4E000  }
.Ltmp0:
0x1d: {  	s28 =	sadd.s32 s28, s6;
	[sflag:s20] =	ssyncadd.s32 $0xFFFFF800;
	(pc) =	sbr.rel @p0 .LBB2_2-.Ltmp0, $3  }
0x1e: {  	[spmem:s28] =	stream.linear.scatter [tilespmem:s19], [sflag:$0x2], $0x800, $0x38;
	[tilespmem:$0x1D800] =	vst v63  }
0x1f: {  	s26 =	sadd.s32 $0x2000, s26;
	_ =	sdelay $0x1  }
0x20: {  	_ =	swait.ge [sflag:s20], $0x800  }
0x21: {  	[sflag:s20] =	ssyncset.done $0x0  }
0x22: {  	s26 =	simm.s32 $0x0;
	[sflag:s20] =	ssyncadd.s32 $0xFFFFF800  }
0x23: {  	[tilespmem:s26], [sflag:$0x2] =	stream.linear.gather [hbm4b:s7+s26], $0x2780, $0x38;
	[tilespmem:$0x1D800] =	vst v63  }
0x24: {  	_ =	swait.ge [sflag:s20], $0x2780  }
0x25: {  	[sflag:s20] =	ssyncset.done $0x0  }
0x26: {  	[sflag:s20] =	ssyncadd.s32 $0xFFFFD880  }
0x27: {  	[tilespmem:s21], [sflag:$0x2] =	stream.linear.gather [hbm4b:s8+s26], $0x2780, $0x38;
	[tilespmem:$0x1D800] =	vst v63  }
0x28: {  	_ =	swait.ge [sflag:s20], $0x2780  }
0x29: {  	[sflag:s20] =	ssyncset.done $0x0  }
0x2a: {  	[sflag:s20] =	ssyncadd.s32 $0xFFFFD880  }
0x2b: {  	s30 =	simm.s32 $0x0;
	[bflag:$0x0] =	sbarrier.arrive $0xFFFF  }
0x2c: {  	[tilespmem:s23], [sflag:$0x1] =	stream.indirect.gather [hbm4b:s4+s22], $0x80, s30, s22, $0xb8;
	[tilespmem:$0x1D800] =	vst v63  }
0x2d: {  	_ =	swait.ge [sflag:s24], $0x4000  }
0x2e: {  	[sflag:s24] =	ssyncset.done $0x0  }
0x2f: {  	s31 =	simm.s32 $0x2800;
	[sflag:s24] =	ssyncadd.s32 $0xFFFFC000  }
0x30: {  	[spmem:s2] =	stream.indirect.scatter.add.f32 [tilespmem:s23], [sflag:$0x2], $0x80, s31, s22, $0xb8;
	[tilespmem:$0x1D800] =	vst v63  }
0x31: {  	_ =	swait.ge [sflag:s20], $0x4000  }
0x32: {  	s28 =	simm.s32 $0x400;
	s26 =	simm.s32 $0x200;
	[sflag:s20] =	ssyncset.done $0x0  }
.LBB2_4:
0x33: {  	s29 =	sshra.s32 s26, $0x2  }
0x34: {  	[sflag:s20] =	ssyncadd.s32 $0xFFFFC000;
	s26 =	smov.u32 s28;
	s30 =	sadd.s32 $0x200, s28  }
0x35: {  	[tilespmem:s23], [sflag:$0x1] =	stream.indirect.gather [hbm4b:s4+s22], $0x80, s29, s22, $0xb8;
	[tilespmem:$0x1D800] =	vst v63  }
0x36: {  	p0 =	sne.s32 s28, $0x9C00;
	_ =	swait.ge [sflag:s24], $0x4000  }
.Ltmp1:
0x37: {  	[sflag:s24] =	ssyncset.done $0x0;
	(pc) =	sbr.rel @p0 .LBB2_4-.Ltmp1, $4  }
0x38: {  	s28 =	sadd.s32 $0x2800, s29;
	[sflag:s24] =	ssyncadd.s32 $0xFFFFC000  }
0x39: {  	[spmem:s2] =	stream.indirect.scatter.add.f32 [tilespmem:s23], [sflag:$0x2], $0x80, s28, s22, $0xb8;
	[tilespmem:$0x1D800] =	vst v63  }
0x3a: {  	_ =	swait.ge [sflag:s20], $0x4000  }
0x3b: {  	s28 =	smov.u32 s30;
	[sflag:s20] =	ssyncset.done $0x0  }
0x3c: {  	s26 =	sshra.s32 s26, $0x2;
	[sflag:s20] =	ssyncadd.s32 $0xFFFFC000  }
0x3d: {  	[tilespmem:s23], [sflag:$0x1] =	stream.indirect.gather [hbm4b:s4+s22], $0x80, s26, s22, $0xb8;
	[tilespmem:$0x1D800] =	vst v63  }
0x3e: {  	_ =	swait.ge [sflag:s24], $0x4000  }
0x3f: {  	[sflag:s24] =	ssyncset.done $0x0  }
0x40: {  	s26 =	sadd.s32 $0x2800, s26;
	[sflag:s24] =	ssyncadd.s32 $0xFFFFC000  }
0x41: {  	[spmem:s2] =	stream.indirect.scatter.add.f32 [tilespmem:s23], [sflag:$0x2], $0x80, s26, s22, $0xb8;
	[tilespmem:$0x1D800] =	vst v63  }
0x42: {  	_ =	swait.ge [sflag:s20], $0x4000  }
0x43: {  	[sflag:s20] =	ssyncset.done $0x0  }
0x44: {  	[sflag:s20] =	ssyncadd.s32 $0xFFFFC000  }
0x45: {  	[bflag:$0x0] =	sbarrier.arrive $0xFFFF  }
0x46: {  	[tilespmem:s23], [sflag:$0x2] =	stream.linear.gather [spmem:s6], $0x4000, $0x38;
	[tilespmem:$0x1D800] =	vst v63  }
0x47: {  	_ =	swait.ge [sflag:s20], $0x4000  }
0x48: {  	[sflag:s20] =	ssyncset.done $0x0  }
0x49: {  	[sflag:s20] =	ssyncadd.s32 $0xFFFFC000  }
0x4a: {  	[hbm4b:s10+s3] =	stream.linear.scatter [tilespmem:s23], [sflag:$0x2], $0x4000, $0x38;
	[tilespmem:$0x1D800] =	vst v63  }
0x4b: {  	_ =	swait.ge [sflag:s20], $0x4000  }
0x4c: {  	[sflag:s20] =	ssyncset.done $0x0  }
0x4d: {  	[sflag:s20] =	ssyncadd.s32 $0xFFFFC000  }
0x4e: {  	[tilespmem:s23], [sflag:$0x2] =	stream.linear.gather [spmem:s11], $0x4000, $0x38;
	[tilespmem:$0x1D800] =	vst v63  }
0x4f: {  	_ =	swait.ge [sflag:s20], $0x4000  }
0x50: {  	[sflag:s20] =	ssyncset.done $0x0  }
0x51: {  	[sflag:s20] =	ssyncadd.s32 $0xFFFFC000  }
0x52: {  	[hbm4b:s12+s3] =	stream.linear.scatter [tilespmem:s23], [sflag:$0x2], $0x4000, $0x38;
	[tilespmem:$0x1D800] =	vst v63  }
0x53: {  	_ =	swait.ge [sflag:s20], $0x4000  }
0x54: {  	[sflag:s20] =	ssyncset.done $0x0  }
0x55: {  	[sflag:s20] =	ssyncadd.s32 $0xFFFFC000  }
0x56: {  	[tilespmem:s23], [sflag:$0x2] =	stream.linear.gather [spmem:s13], $0x4000, $0x38;
	[tilespmem:$0x1D800] =	vst v63  }
0x57: {  	_ =	swait.ge [sflag:s20], $0x4000  }
0x58: {  	[sflag:s20] =	ssyncset.done $0x0  }
0x59: {  	[sflag:s20] =	ssyncadd.s32 $0xFFFFC000  }
0x5a: {  	[hbm4b:s14+s3] =	stream.linear.scatter [tilespmem:s23], [sflag:$0x2], $0x4000, $0x38;
	[tilespmem:$0x1D800] =	vst v63  }
0x5b: {  	_ =	swait.ge [sflag:s20], $0x4000  }
0x5c: {  	[sflag:s20] =	ssyncset.done $0x0  }
0x5d: {  	[sflag:s20] =	ssyncadd.s32 $0xFFFFC000  }
0x5e: {  	[tilespmem:s23], [sflag:$0x2] =	stream.linear.gather [spmem:s15], $0x4000, $0x38;
	[tilespmem:$0x1D800] =	vst v63  }
0x5f: {  	_ =	swait.ge [sflag:s20], $0x4000  }
0x60: {  	[sflag:s20] =	ssyncset.done $0x0  }
0x61: {  	[sflag:s20] =	ssyncadd.s32 $0xFFFFC000  }
0x62: {  	[hbm4b:s16+s3] =	stream.linear.scatter [tilespmem:s23], [sflag:$0x2], $0x4000, $0x38;
	[tilespmem:$0x1D800] =	vst v63  }
0x63: {  	_ =	swait.ge [sflag:s20], $0x4000  }
0x64: {  	[sflag:s20] =	ssyncset.done $0x0  }
0x65: {  	[sflag:s20] =	ssyncadd.s32 $0xFFFFC000  }
0x66: {  	[tilespmem:s23], [sflag:$0x2] =	stream.linear.gather [spmem:s17], $0x4000, $0x38;
	[tilespmem:$0x1D800] =	vst v63  }
0x67: {  	s25 =	sadd.s32 $0x1, s25;
	_ =	swait.ge [sflag:s20], $0x4000  }
0x68: {  	p0 =	sne.s32 s25, s9;
	[sflag:s20] =	ssyncset.done $0x0  }
.Ltmp2:
0x69: {  	[sflag:s20] =	ssyncadd.s32 $0xFFFFC000;
	(pc) =	sbr.rel @p0 .LBB2_1-.Ltmp2, $4  }
0x6a: {  	[hbm4b:s18+s3] =	stream.linear.scatter [tilespmem:s23], [sflag:$0x2], $0x4000, $0x38;
	[tilespmem:$0x1D800] =	vst v63  }
0x6b: {  	_ =	swait.ge [sflag:s20], $0x4000  }
0x6c: {  	[sflag:s20] =	ssyncset.done $0x0  }
0x6d: {  	[sflag:s20] =	ssyncadd.s32 $0xFFFFC000  }
0x6e: {  	_ =	sfence.sel $0x180000  }
0x6f: {  	[bflag:$0x0] =	sbarrier.arrive $0xFFFF  }
0x70: {  	p0 =	sne.s32 s1, $0x0;
	_ =	strace $0x9000004D  }
0x71: {  	s0 =	sadd.s32 @!p0 $0x100000, s0;
	[bflag:$0x2] =	sbarrier.arrive $0xFFFF  }
0x72: {  	[sflag:s0] =	ssyncadd.tile.s32 @!p0 $0x1;
	_ =	shalt  }
.Lfunc_end2:
_tile_overlayer_lowered:
.L_overlay_start_2:
0x73: {  	(tag) =	ssettag $0x2  }
0x74: {  	s0 =	rddreg [dreg:$0x0];
	s2 =	stileid.u32  }
0x75: {  	s1 =	rddreg [dreg:$0x1];
	p0 =	sne.s32 s2, $0x0  }
0x76: {  	s3 =	rddreg [dreg:$0x2];
	[bflag:$0x3] =	sbarrier.arrive $0xFFFF;
	s2 =	simm.s32 @!p0 $0x1C02  }
0x77: {  	[timem:s3], [sflag:s2] =	dma.local @!p0 [hbm:s0], s1  }
0x78: {  	s0 =	simm.s32 @!p0 $0x2  }
0x79: {  	_ =	swait.ge @!p0 [sflag:s0], s1  }
0x7a: {  	s1 =	ssub.s32 @!p0 $0x0, s1;
	[sflag:s0] =	ssyncset.done @!p0 $0x0  }
0x7b: {  	[sflag:s0] =	ssyncadd.s32 @!p0 s1  }
0x7c: {  	[bflag:$0x3] =	sbarrier.arrive $0xFFFF  }
0x7d: {  	_ =	shalt  }

// kernel: kernel.9.cloned.1.call-start
scs
__scs_entry_jumppad:
0x0: {  	(pc) =	sbr.rel $0x88, $3  }
0x1: {  	(tag) =	ssettag $0x0;
	lr =	simm.s32 $0x1  }
0x2: {  	[smem:$0x3F9B] =	sst lr;
	_ =	strace $0xD0000000  }
0x3: {  	_ = 	snop  }
0x4: {  	_ = 	snop  }
0x5: {  	_ = 	snop  }
0x6: {  	_ = 	snop  }
0x7: {  	_ = 	snop  }
__scs_overlays_trampoline_lowered:
0x8: {  	[smem:$0x3FAA] =	sst s0  }
0x9: {  	[smem:$0x3FAB] =	sst s1  }
0xa: {  	[smem:$0x3FAC] =	sst s2  }
0xb: {  	[smem:$0x3FAD] =	sst s3  }
0xc: {  	[smem:$0x3FAE] =	sst s4  }
0xd: {  	[smem:$0x3FAF] =	sst s5  }
0xe: {  	[smem:$0x3FB0] =	sst s6  }
0xf: {  	[smem:$0x3FB1] =	sst s7  }
0x10: {  	[smem:$0x3FB2] =	sst s8  }
0x11: {  	[smem:$0x3FB3] =	sst s9;
	s0 =	simm.s32 @!p0 $0x0  }
0x12: {  	s1 =	sld [smem:$0x3F99];
	s0 =	simm.s32 @p0 $0x1  }
0x13: {  	[smem:$0x3FB4] =	sst s0;
	s0 =	simm.s32 @!p1 $0x0  }
0x14: {  	s2 =	sld [smem:$0x3F98];
	s0 =	simm.s32 @p1 $0x1  }
0x15: {  	[smem:$0x3FB5] =	sst s0;
	s0 =	simm.s32 @!p2 $0x0  }
0x16: {  	s3 =	sld [smem:$0x3FDB];
	s0 =	simm.s32 @p2 $0x1  }
0x17: {  	s4 =	simm.s32 $0x1BF5;
	[smem:$0x3FB7] =	sst s0  }
0x18: {  	s0 =	sld [smem:$0x3F9A];
	_ =	swait.ge [sflag:s4], $0x0  }
0x19: {  	s7 =	sld [smem:$0x3F9B]  }
0x1a: {  	s8 =	sadd.s32 $0xFFFFE003, lr  }
0x1b: {  	s9 =	sadd.s32 $0xFFFFFEF7, lr;
	s5 =	simm.s32 $0xFFFFFFFF;
	p2 =	slt.u32 s8, $0xFFFFF086  }
0x1c: {  	p1 =	slt.u32 s9, $0xF7A;
	s5 =	simm.s32 @!p2 $0x0  }
0x1d: {  	s5 =	simm.s32 @p1 $0x1;
	p0 =	seq.s32 s7, s2  }
0x1e: {  	s7 =	smul.u32 @!p0 $0xF7A, s2;
	p2 =	seq.s32 @!p0 s5, $0x0  }
0x1f: {  	s9 =	smul.u32 $0xF7A, s1;
	s8 =	simm.s32 @!p0 $0x1BF5;
	p2 =	por !p2, p0  }
0x20: {  	[sflag:s8] =	ssyncset.s32 @!p0 $0xFFFFF086;
	s6 =	sadd.s32 @!p0 s3, s7;
	s7 =	simm.s32 @!p0 $0x108  }
0x21: {  	s3 =	sadd.s32 s3, s9;
	s6 =	sadd.s32 @!p0 $0x88, s6;
	s7 =	simm.s32 @p2 $0x1082  }
0x22: {  	[simem:s7], [sflag:s8] =	dma.local @!p0 [hbm:s6], $0xF7A  }
0x23: {  	s9 =	sor.u32 $0xD0000000, s2;
	s6 =	simm.s32 $0x108;
	_ =	swait.ge @!p0 [sflag:s8], $0x0  }
0x24: {  	s3 =	sadd.s32 $0x88, s3;
	s6 =	simm.s32 @!p1 $0x1082;
	[sflag:s4] =	ssyncset.s32 $0xFFFFF086  }
0x25: {  	[simem:s6], [sflag:s4] =	dma.local [hbm:s3], $0xF7A  }
0x26: {  	[smem:$0x3F9B] =	sst s1;
	(tag) =	ssettag s2;
	_ =	strace s9  }
0x27: {  	s1 =	sld [smem:$0x3FAB]  }
0x28: {  	s2 =	sld [smem:$0x3FAC]  }
0x29: {  	s4 =	sld [smem:$0x3FAE]  }
0x2a: {  	p0 =	seq.s32 s5, $0x0;
	s5 =	sld [smem:$0x3FAF]  }
0x2b: {  	s6 =	sld [smem:$0x3FB0]  }
0x2c: {  	s7 =	sld [smem:$0x3FB1]  }
0x2d: {  	s3 =	simm.s32 $0x108;
	s8 =	sld [smem:$0x3FB2]  }
0x2e: {  	s3 =	simm.s32 @!p0 $0x1082;
	s9 =	sld [smem:$0x3FB3]  }
0x2f: {  	lr =	sadd.s32 s0, s3;
	s0 =	sld [smem:$0x3FAA]  }
0x30: {  	s3 =	sld [smem:$0x3FAD]  }
0x31: {  	[smem:$0x3FB6] =	sst s10  }
0x32: {  	s10 =	sld [smem:$0x3FB4];
	_ =	sdelay $0x3  }
0x33: {  	p0 =	seq.s32 s10, $0x1;
	s10 =	sld [smem:$0x3FB6];
	_ =	sdelay $0x3  }
0x34: {  	[smem:$0x3FB6] =	sst s10  }
0x35: {  	s10 =	sld [smem:$0x3FB5];
	_ =	sdelay $0x3  }
0x36: {  	p1 =	seq.s32 s10, $0x1;
	s10 =	sld [smem:$0x3FB6];
	_ =	sdelay $0x3  }
0x37: {  	[smem:$0x3FB6] =	sst s10  }
0x38: {  	s10 =	sld [smem:$0x3FB7]  }
0x39: {  	_ = 	snop;
	(pc) =	sbr.ind lr, $3  }
0x3a: {  	_ = 	snop  }
0x3b: {  	_ = 	snop  }
0x3c: {  	p2 =	seq.s32 s10, $0x1;
	s10 =	sld [smem:$0x3FB6]  }
0x3d: {  	_ =	shalt  }
0x3e: {  	_ =	shalt  }
0x3f: {  	_ =	shalt  }
0x40: {  	_ =	shalt  }
0x41: {  	_ =	shalt  }
0x42: {  	_ =	shalt  }
0x43: {  	_ =	shalt  }
0x44: {  	_ =	shalt  }
0x45: {  	_ =	shalt  }
0x46: {  	_ =	shalt  }
0x47: {  	_ =	shalt  }
0x48: {  	_ =	shalt  }
0x49: {  	_ =	shalt  }
0x4a: {  	_ =	shalt  }
0x4b: {  	_ =	shalt  }
0x4c: {  	_ =	shalt  }
0x4d: {  	_ =	shalt  }
0x4e: {  	_ =	shalt  }
0x4f: {  	_ =	shalt  }
0x50: {  	_ =	shalt  }
0x51: {  	_ =	shalt  }
0x52: {  	_ =	shalt  }
0x53: {  	_ =	shalt  }
0x54: {  	_ =	shalt  }
0x55: {  	_ =	shalt  }
0x56: {  	_ =	shalt  }
0x57: {  	_ =	shalt  }
0x58: {  	_ =	shalt  }
0x59: {  	_ =	shalt  }
0x5a: {  	_ =	shalt  }
0x5b: {  	_ =	shalt  }
0x5c: {  	_ =	shalt  }
0x5d: {  	_ =	shalt  }
0x5e: {  	_ =	shalt  }
0x5f: {  	_ =	shalt  }
0x60: {  	_ =	shalt  }
0x61: {  	_ =	shalt  }
0x62: {  	_ =	shalt  }
0x63: {  	_ =	shalt  }
0x64: {  	_ =	shalt  }
0x65: {  	_ =	shalt  }
0x66: {  	_ =	shalt  }
0x67: {  	_ =	shalt  }
0x68: {  	_ =	shalt  }
0x69: {  	_ =	shalt  }
0x6a: {  	_ =	shalt  }
0x6b: {  	_ =	shalt  }
0x6c: {  	_ =	shalt  }
0x6d: {  	_ =	shalt  }
0x6e: {  	_ =	shalt  }
0x6f: {  	_ =	shalt  }
0x70: {  	_ =	shalt  }
0x71: {  	_ =	shalt  }
0x72: {  	_ =	shalt  }
0x73: {  	_ =	shalt  }
0x74: {  	_ =	shalt  }
0x75: {  	_ =	shalt  }
0x76: {  	_ =	shalt  }
0x77: {  	_ =	shalt  }
0x78: {  	_ =	shalt  }
0x79: {  	_ =	shalt  }
0x7a: {  	_ =	shalt  }
0x7b: {  	_ =	shalt  }
0x7c: {  	_ =	shalt  }
0x7d: {  	_ =	shalt  }
0x7e: {  	_ =	shalt  }
0x7f: {  	_ =	shalt  }
0x80: {  	_ =	shalt  }
0x81: {  	_ =	shalt  }
0x82: {  	_ =	shalt  }
0x83: {  	_ =	shalt  }
0x84: {  	_ =	shalt  }
0x85: {  	_ =	shalt  }
0x86: {  	_ =	shalt  }
0x87: {  	_ =	shalt  }
.Lfunc_end0:
.L_simem_size_0:
called_computation_lowered:
.L_overlay_start_0:
0x88: {  	s2 =	sld [smem:$0x3FD9]  }
0x89: {  	s3 =	sld [smem:$0x3FFE];
	_ =	sdelay $0x1  }
0x8a: {  	s1 =	srdreg.scid  }
0x8b: {  	s0 =	sand.u32 $0x1, s1  }
0x8c: {  	s17 =	sshll.u32 s0, $0xA;
	s2 =	sadd.s32 s3, s2  }
0x8d: {  	s2 =	sadd.s32 s2, s17  }
0x8e: {  	[smem:$0x3FC2] =	sst s2  }
0x8f: {  	_ = 	snop  }
0x90: {  	s2 =	sld [smem:$0x3FD0];
	(tm) =	ssettm $0x1  }
0x91: {  	s18 =	sld [smem:$0x3FFB];
	_ =	sdelay $0x3  }
0x92: {  	_ =	strace s18  }
0x93: {  	s3 =	sld [smem:$0x3FFC];
	_ =	sdelay $0x3  }
0x94: {  	_ =	strace s3  }
0x95: {  	s3 =	sld [smem:$0x3FFD];
	_ =	sdelay $0x3  }
0x96: {  	_ =	strace s3  }
0x97: {  	_ =	strace $0x8FFFFFFF  }
0x98: {  	s19 =	sld [smem:$0x3FDB];
	_ =	sdelay $0x1  }
0x99: {  	s4 =	simm.s32 $_scs_section_size  }
0x9a: {  	s5 =	simm.s32 $_size__tile_overlayer_lowered;
	s6 =	simm.s32 $_tile_overlayer_lowered  }
0x9b: {  	s22 =	simm.s32 $0x1BFF;
	s21 =	sshll.u32 s6, $0x1;
	s3 =	sadd.s32 s4, s19  }
0x9c: {  	s7 =	simm.s32 $0x0;
	s20 =	sshll.u32 s5, $0x1;
	s5 =	sadd.s32 s21, s3  }
0x9d: {  	[timem:s7], [sflag:s22] =	dma.local [hbm:s5], s20  }
0x9e: {  	_ =	swait.ge [sflag:s22], s20  }
0x9f: {  	s4 =	ssub.s32 $0x0, s20;
	[sflag:s22] =	ssyncset.done $0x0  }
0xa0: {  	[sflag:s22] =	ssyncadd.s32 s4;
	_ =	sdelay $0x1  }
0xa1: {  	s23 =	simm.s32 $0x1B8B  }
0xa2: {  	_ =	swait.ge [sflag:s23], $0x1  }
0xa3: {  	[sflag:s23] =	ssyncset.done $0x0  }
0xa4: {  	s25 =	simm.s32 $0x1B8E;
	s24 =	sld [smem:$0x3FFE];
	[sflag:s23] =	ssyncadd.s32 $0xFFFFFFFF  }
0xa5: {  	s26 =	simm.s32 $execute0_lowered;
	[smem:$0x3FD2] =	sst s25  }
0xa6: {  	s5 =	sshll.u32 s26, $0x1;
	_ =	strace $0x80000046;
	[dreg:$0x1] =	wrdreg $0xFFFFFFFF  }
0xa7: {  	s28 =	simm.s32 $_size_execute0_lowered;
	s3 =	sadd.s32 s3, s5;
	[dreg:$0x0] =	wrdreg $0x0  }
0xa8: {  	s5 =	sshll.u32 s28, $0x1;
	[dreg:$0x2] =	wrdreg s3  }
0xa9: {  	[dreg:$0x3] =	wrdreg s5  }
0xaa: {  	[dreg:$0x4] =	wrdreg $0xC0  }
0xab: {  	_ =	task [dreg:s7], $0x5FFFF  }
0xac: {  	[dreg:$0x1] =	wrdreg $0xFFFFFFFF  }
0xad: {  	[dreg:$0x0] =	wrdreg $0x60  }
0xae: {  	[dreg:$0x2] =	wrdreg s2  }
0xaf: {  	[dreg:$0x3] =	wrdreg s24  }
0xb0: {  	[dreg:$0x4] =	wrdreg $0xC0000  }
0xb1: {  	[dreg:$0x5] =	wrdreg $0x9  }
0xb2: {  	_ =	task.clear_ibuf [dreg:s7], $0x6FFFF;
	_ =	strace $0x90000046  }
0xb3: {  	s29 =	simm.s32 $0x9;
	_ =	strace $0x80000048  }
0xb4: {  	_ =	swait.ge [sflag:s29], $0x1  }
0xb5: {  	[sflag:s29] =	ssyncadd.s32 $0xFFFFFFFF  }
0xb6: {  	_ =	strace $0x90000048  }
0xb7: {  	_ =	sfence  }
0xb8: {  	s30 =	sld [smem:$0x0];
	_ =	sdelay $0x2  }
0xb9: {  	s31 =	sshll.u32 s1, $0xD;
	s1 =	sshrl.u32 s1, $0x2  }
0xba: {  	s3 =	sand.u32 $0x4000, s31;
	s1 =	sadd.s32 s1, s30  }
0xbb: {  	s0 =	sor.u32 s3, s0;
	s1 =	sshll.u32 s1, $0x11  }
0xbc: {  	s0 =	sor.u32 s1, s0  }
0xbd: {  	s0 =	sadd.s32 $0x8F2B, s0  }
0xbe: {  	[sflag:s0] =	ssyncadd.remote.s32 $0x1  }
0xbf: {  	_ =	sfence.sel $0xFFFF  }
0xc0: {  	[dreg:$0x0] =	wrdreg $0xFFFFFFFF;
	(pc) =	sbr.abs _section_cstart, $3  }
0xc1: {  	[dreg:$0x1] =	wrdreg $0xFFFFFFFF  }
0xc2: {  	_ =	task.clear_ibuf [dreg:s7], $0x2FFFF;
	_ =	strace $0x9FFFFFFF  }
0xc3: {  	(tm) =	ssettm $0x7FFFFFFF  }
tec
execute0_lowered:
.L_overlay_start_1:
0x0: {  	(tag) =	ssettag $0x1  }
0x1: {  	s7 =	rddreg [dreg:$0x0]  }
0x2: {  	s6 =	rddreg [dreg:$0x1]  }
0x3: {  	s1 =	rddreg [dreg:$0x2]  }
0x4: {  	s2 =	srdreg.scid;
	s0 =	rddreg [dreg:$0x3]  }
0x5: {  	s3 =	simm.s32 $0x0;
	s18 =	simm.s32 $0x6800;
	s19 =	simm.s32 $0x80  }
0x6: {  	s20 =	simm.s32 $0x7000;
	s21 =	simm.s32 $0x0;
	s5 =	sand.u32 $0x1, s2  }
0x7: {  	s2 =	stileid.u32;
	[smem:$0x7FF] =	sst s3;
	s15 =	sadd.s32 $0x3400, s6  }
0x8: {  	s4 =	sshll.u32 s5, $0x4;
	s8 =	smul.u32 $0x50000, s2;
	_ =	strace $0x80000047  }
0x9: {  	s10 =	ssub.s32 $0x2, s5;
	s12 =	smul.u32 $0x140000, s5;
	s5 =	sadd.s32 $0x3200, s6  }
0xa: {  	s13 =	smul.u32 $0x14000, s2;
	s4 =	sor.u32 s2, s4;
	s11 =	sshrl.u32 s10, $0x1  }
0xb: {  	s9 =	smul.u32 $0x500, s4;
	s4 =	sadd.s32 $0x2A00, s6;
	s10 =	ssub.s32 s10, s11  }
0xc: {  	s28 =	sshrl.u32 s8, $0x2;
	s29 =	sadd.s32 s12, s13;
	s30 =	sadd.s32 $0x5000, s13  }
0xd: {  	s14 =	sadd.s32 $0xA000, s13;
	s16 =	sadd.s32 $0xF000, s13;
	s6 =	sadd.s32 s28, s1  }
0xe: {  	s8 =	smax.u32 s10, $0x1;
	s10 =	sadd.s32 s30, s1;
	s11 =	sadd.s32 s12, s30  }
0xf: {  	s31 =	sadd.s32 s12, s14;
	s17 =	sadd.s32 s12, s16;
	s12 =	sadd.s32 s14, s1  }
0x10: {  	s14 =	sadd.s32 s16, s1;
	s16 =	simm.s32 $0x2800;
	s7 =	sadd.s32 s7, s9  }
0x11: {  	s9 =	sshrl.u32 s29, $0x3;
	s11 =	sshrl.u32 s11, $0x3;
	s13 =	sshrl.u32 s31, $0x3  }
0x12: {  	s17 =	sshrl.u32 s17, $0x3;
	s9 =	sadd.s32 s15, s9;
	s11 =	sadd.s32 s15, s11  }
0x13: {  	s13 =	sadd.s32 s15, s13;
	s15 =	sadd.s32 s15, s17;
	s17 =	simm.s32 $0x1  }
.LBB2_1:
0x14: {  	[tilespmem:s16], [sflag:$0x1] =	stream.linear.gather [hbm4b:s4+s3], $0x4000, $0x38;
	[tilespmem:$0xE800] =	vst v63  }
0x15: {  	_ =	swait.ge [sflag:s17], $0x4000  }
0x16: {  	[sflag:s17] =	ssyncset.done $0x0  }
0x17: {  	[sflag:s17] =	ssyncadd.s32 $0xFFFFC000  }
0x18: {  	[tilespmem:s18], [sflag:$0x1] =	stream.linear.gather [hbm4b:s5+s3], $0x800, $0x38;
	[tilespmem:$0xE800] =	vst v63  }
0x19: {  	_ =	swait.ge [sflag:s17], $0x800  }
0x1a: {  	[sflag:s17] =	ssyncset.done $0x0  }
0x1b: {  	s22 =	sadd.s32 $0x0, s6;
	[sflag:s17] =	ssyncadd.s32 $0xFFFFF800  }
0x1c: {  	[spmem:s22] =	stream.linear.scatter [tilespmem:s18], [sflag:$0x1], $0x800, $0x38;
	[tilespmem:$0xE800] =	vst v63  }
0x1d: {  	s22 =	simm.s32 $0x2000;
	_ =	swait.ge [sflag:s17], $0x800  }
.LBB2_2:
0x1e: {  	s23 =	sshra.s32 s22, $0x2;
	[sflag:s17] =	ssyncset.done $0x0;
	p0 =	sne.s32 s22, $0x4E000  }
.Ltmp0:
0x1f: {  	s23 =	sadd.s32 s23, s6;
	[sflag:s17] =	ssyncadd.s32 $0xFFFFF800;
	(pc) =	sbr.rel @p0 .LBB2_2-.Ltmp0, $3  }
0x20: {  	[spmem:s23] =	stream.linear.scatter [tilespmem:s18], [sflag:$0x1], $0x800, $0x38;
	[tilespmem:$0xE800] =	vst v63  }
0x21: {  	s22 =	sadd.s32 $0x2000, s22;
	_ =	sdelay $0x1  }
0x22: {  	_ =	swait.ge [sflag:s17], $0x800  }
0x23: {  	[sflag:s17] =	ssyncset.done $0x0  }
0x24: {  	s22 =	simm.s32 $0x0;
	[sflag:s17] =	ssyncadd.s32 $0xFFFFF800  }
0x25: {  	[tilespmem:s22], [sflag:$0x1] =	stream.linear.gather [hbm4b:s7+s22], $0x2780, $0x38;
	[tilespmem:$0xE800] =	vst v63  }
0x26: {  	_ =	swait.ge [sflag:s17], $0x2780  }
0x27: {  	[sflag:s17] =	ssyncset.done $0x0  }
0x28: {  	[sflag:s17] =	ssyncadd.s32 $0xFFFFD880  }
0x29: {  	s31 =	simm.s32 $0x0;
	[bflag:$0x0] =	sbarrier.arrive $0xFFFF  }
0x2a: {  	[spmem:s1] =	stream.indirect.scatter.add.f32 [tilespmem:s16], [sflag:$0x1], $0x10, s31, s19, $0xb8;
	[tilespmem:$0xE800] =	vst v63  }
0x2b: {  	_ =	swait.ge [sflag:s17], $0x800  }
0x2c: {  	s22 =	simm.s32 $0x200;
	[sflag:s17] =	ssyncset.done $0x0  }
.LBB2_4:
0x2d: {  	s23 =	sshra.s32 s22, $0x2;
	[sflag:s17] =	ssyncadd.s32 $0xFFFFF800;
	p0 =	sne.s32 s22, $0x9C00  }
0x2e: {  	[spmem:s1] =	stream.indirect.scatter.add.f32 [tilespmem:s16], [sflag:$0x1], $0x10, s23, s19, $0xb8;
	[tilespmem:$0xE800] =	vst v63  }
.Ltmp1:
0x2f: {  	_ = 	snop;
	(pc) =	sbr.rel @p0 .LBB2_4-.Ltmp1, $4  }
0x30: {  	_ = 	snop  }
0x31: {  	s22 =	sadd.s32 $0x200, s22  }
0x32: {  	_ =	swait.ge [sflag:s17], $0x800  }
0x33: {  	[sflag:s17] =	ssyncset.done $0x0  }
0x34: {  	[sflag:s17] =	ssyncadd.s32 $0xFFFFF800  }
0x35: {  	[bflag:$0x0] =	sbarrier.arrive $0xFFFF  }
0x36: {  	[tilespmem:s20], [sflag:$0x1] =	stream.linear.gather [spmem:s6], $0x5000, $0x38;
	[tilespmem:$0xE800] =	vst v63  }
0x37: {  	_ =	swait.ge [sflag:s17], $0x5000  }
0x38: {  	[sflag:s17] =	ssyncset.done $0x0  }
0x39: {  	[sflag:s17] =	ssyncadd.s32 $0xFFFFB000  }
0x3a: {  	[hbm4b:s9+s3] =	stream.linear.scatter [tilespmem:s20], [sflag:$0x1], $0x5000, $0x38;
	[tilespmem:$0xE800] =	vst v63  }
0x3b: {  	_ =	swait.ge [sflag:s17], $0x5000  }
0x3c: {  	[sflag:s17] =	ssyncset.done $0x0  }
0x3d: {  	[sflag:s17] =	ssyncadd.s32 $0xFFFFB000  }
0x3e: {  	[tilespmem:s20], [sflag:$0x1] =	stream.linear.gather [spmem:s10], $0x5000, $0x38;
	[tilespmem:$0xE800] =	vst v63  }
0x3f: {  	_ =	swait.ge [sflag:s17], $0x5000  }
0x40: {  	[sflag:s17] =	ssyncset.done $0x0  }
0x41: {  	[sflag:s17] =	ssyncadd.s32 $0xFFFFB000  }
0x42: {  	[hbm4b:s11+s3] =	stream.linear.scatter [tilespmem:s20], [sflag:$0x1], $0x5000, $0x38;
	[tilespmem:$0xE800] =	vst v63  }
0x43: {  	_ =	swait.ge [sflag:s17], $0x5000  }
0x44: {  	[sflag:s17] =	ssyncset.done $0x0  }
0x45: {  	[sflag:s17] =	ssyncadd.s32 $0xFFFFB000  }
0x46: {  	[tilespmem:s20], [sflag:$0x1] =	stream.linear.gather [spmem:s12], $0x5000, $0x38;
	[tilespmem:$0xE800] =	vst v63  }
0x47: {  	_ =	swait.ge [sflag:s17], $0x5000  }
0x48: {  	[sflag:s17] =	ssyncset.done $0x0  }
0x49: {  	[sflag:s17] =	ssyncadd.s32 $0xFFFFB000  }
0x4a: {  	[hbm4b:s13+s3] =	stream.linear.scatter [tilespmem:s20], [sflag:$0x1], $0x5000, $0x38;
	[tilespmem:$0xE800] =	vst v63  }
0x4b: {  	_ =	swait.ge [sflag:s17], $0x5000  }
0x4c: {  	[sflag:s17] =	ssyncset.done $0x0  }
0x4d: {  	[sflag:s17] =	ssyncadd.s32 $0xFFFFB000  }
0x4e: {  	[tilespmem:s20], [sflag:$0x1] =	stream.linear.gather [spmem:s14], $0x5000, $0x38;
	[tilespmem:$0xE800] =	vst v63  }
0x4f: {  	s21 =	sadd.s32 $0x1, s21;
	_ =	swait.ge [sflag:s17], $0x5000  }
0x50: {  	p0 =	sne.s32 s21, s8;
	[sflag:s17] =	ssyncset.done $0x0  }
.Ltmp2:
0x51: {  	[sflag:s17] =	ssyncadd.s32 $0xFFFFB000;
	(pc) =	sbr.rel @p0 .LBB2_1-.Ltmp2, $4  }
0x52: {  	[hbm4b:s15+s3] =	stream.linear.scatter [tilespmem:s20], [sflag:$0x1], $0x5000, $0x38;
	[tilespmem:$0xE800] =	vst v63  }
0x53: {  	_ =	swait.ge [sflag:s17], $0x5000  }
0x54: {  	[sflag:s17] =	ssyncset.done $0x0  }
0x55: {  	[sflag:s17] =	ssyncadd.s32 $0xFFFFB000  }
0x56: {  	_ =	sfence.sel $0x180000  }
0x57: {  	[bflag:$0x0] =	sbarrier.arrive $0xFFFF  }
0x58: {  	p0 =	sne.s32 s2, $0x0;
	_ =	strace $0x90000047  }
0x59: {  	s0 =	sadd.s32 @!p0 $0x100000, s0;
	[bflag:$0x2] =	sbarrier.arrive $0xFFFF  }
0x5a: {  	[sflag:s0] =	ssyncadd.tile.s32 @!p0 $0x1;
	_ =	shalt  }
.Lfunc_end2:
_tile_overlayer_lowered:
.L_overlay_start_2:
0x5b: {  	(tag) =	ssettag $0x2  }
0x5c: {  	s0 =	rddreg [dreg:$0x0];
	s2 =	stileid.u32  }
0x5d: {  	s1 =	rddreg [dreg:$0x1];
	p0 =	sne.s32 s2, $0x0  }
0x5e: {  	s3 =	rddreg [dreg:$0x2];
	[bflag:$0x3] =	sbarrier.arrive $0xFFFF;
	s2 =	simm.s32 @!p0 $0x1C01  }
0x5f: {  	[timem:s3], [sflag:s2] =	dma.local @!p0 [hbm:s0], s1  }
0x60: {  	s0 =	simm.s32 @!p0 $0x1  }
0x61: {  	_ =	swait.ge @!p0 [sflag:s0], s1  }
0x62: {  	s1 =	ssub.s32 @!p0 $0x0, s1;
	[sflag:s0] =	ssyncset.done @!p0 $0x0  }
0x63: {  	[sflag:s0] =	ssyncadd.s32 @!p0 s1  }
0x64: {  	[bflag:$0x3] =	sbarrier.arrive $0xFFFF  }
0x65: {  	_ =	shalt  }

</sc_bundles>
